<compile_context>
chip_gen: v7x
topology: tpu7x:2x2x1
jax: 0.10.2.dev20260603
libtpu: 0.0.44.dev20260713+nightly
codegen_flags: <defaults>
</compile_context>

<pallas_src>
import functools

import jax
import jax.numpy as jnp
from jax import lax
from jax.experimental import pallas as pl
from jax.experimental.pallas import tpu as pltpu
from jax.experimental.pallas import tpu_sc as plsc

N_NODES = 50000
DIM_IN = 256
DIM_OUT = 128
NUM_GRAPHS = 512

CHUNK = 16
NCHUNKS = N_NODES // CHUNK
NSUB = 16
TRIPS = -(-NCHUNKS // NSUB)
COLS = DIM_IN // 2
CVECS = COLS // 16
NBUF = 3
GROUPS = -(-TRIPS // NBUF)

_mesh = plsc.VectorSubcoreMesh(core_axis_name="c", subcore_axis_name="s")


@functools.partial(
    pl.kernel,
    out_type=jax.ShapeDtypeStruct((2, NSUB, NUM_GRAPHS, COLS), jnp.float32),
    mesh=_mesh,
    compiler_params=pltpu.CompilerParams(needs_layout_passes=False),
    scratch_types=(
        pltpu.VMEM((NBUF, CHUNK, COLS), jnp.float32),
        pltpu.VMEM((NBUF, CHUNK), jnp.int32),
        pltpu.VMEM((NUM_GRAPHS, COLS), jnp.float32),
        pltpu.SemaphoreType.DMA,
        pltpu.SemaphoreType.DMA,
        pltpu.SemaphoreType.DMA,
        pltpu.SemaphoreType.DMA,
        pltpu.SemaphoreType.DMA,
        pltpu.SemaphoreType.DMA,
    ),
)
def _sc_pool(x_hbm, ids_hbm, sums_hbm, rows_v, idx_v, acc_v,
             xs0, xs1, xs2, is0, is1, is2):
    xsems = (xs0, xs1, xs2)
    isems = (is0, is1, is2)
    cid = lax.axis_index("c")
    sid = lax.axis_index("s")
    col0 = cid * COLS
    zeros16 = jnp.zeros((16,), jnp.float32)

    def _zero(g, _):
        for j in range(CVECS):
            acc_v[g, pl.ds(j * 16, 16)] = zeros16
        return 0
    lax.fori_loop(0, NUM_GRAPHS, _zero, 0)


    lane = lax.iota(jnp.int32, 16)
    cols = [lane + j * 16 for j in range(CVECS)]

    def _issue(t, b):
        c = sid + t * NSUB

        @pl.when(c < NCHUNKS)
        def _():
            row0 = c * CHUNK
            pltpu.async_copy(
                x_hbm.at[pl.ds(row0, CHUNK), pl.ds(col0, COLS)],
                rows_v.at[b], xsems[b])

    for b in range(NBUF):
        _issue(b, b)

    carry0 = tuple(jnp.zeros((16,), jnp.float32) for _ in range(CVECS)) + (
        jnp.full((16,), -1, jnp.int32),)

    def _row(b):
        def body(i, carry):
            gprev = carry[CVECS]
            g_vec = plsc.load_gather(
                idx_v.at[b], [jnp.zeros((16,), jnp.int32) + i])
            rows = [rows_v[b, i, pl.ds(j * 16, 16)] for j in range(CVECS)]
            m = g_vec != gprev
            changed = jnp.any(m)

            @pl.when(changed)
            def _():
                mask = gprev >= 0
                for j in range(CVECS):
                    plsc.addupdate_scatter(acc_v, [gprev, cols[j]],
                                           carry[j], mask=mask)
            new_accs = tuple(
                jnp.where(m, rows[j], carry[j] + rows[j])
                for j in range(CVECS))
            return new_accs + (g_vec,)
        return body

    def _group(T, carry):
        for b in range(NBUF):
            t = T * NBUF + b
            c = sid + t * NSUB

            def _trip(cr, b=b, t=t):
                pltpu.make_async_copy(
                    x_hbm.at[pl.ds(0, CHUNK), pl.ds(col0, COLS)],
                    rows_v.at[b], xsems[b]).wait()
                _issue(t + NBUF, b)
                return cr
            carry = lax.cond(c < NCHUNKS, _trip, lambda cr: cr, carry)
        return carry
    carry = lax.fori_loop(0, GROUPS, _group, carry0)

    gprev = carry[CVECS]
    mask = gprev >= 0
    for j in range(CVECS):
        plsc.addupdate_scatter(acc_v, [gprev, cols[j]], carry[j], mask=mask)

    pltpu.sync_copy(acc_v, sums_hbm.at[cid, sid])


CNT_BLK = 2000


def _cnt_body(ids_ref, cnt_ref):
    gids = lax.broadcasted_iota(jnp.int32, (1, NUM_GRAPHS), 1)
    cnt = jnp.zeros((NUM_GRAPHS,), jnp.float32)
    for i in range(N_NODES // CNT_BLK):
        onehot = (ids_ref[i][:, None] == gids).astype(jnp.float32)
        cnt = cnt + jnp.sum(onehot, axis=0)
    cnt_ref[...] = cnt[None, :]


def _head_body(s_ref, c_ref, w_ref, b_ref, o_ref):
    emb = jnp.concatenate(
        [jnp.sum(s_ref[0], axis=0), jnp.sum(s_ref[1], axis=0)], axis=1)
    emb = emb / jnp.maximum(c_ref[0], 1.0)[:, None]
    o_ref[...] = (
        jnp.dot(emb, w_ref[...], preferred_element_type=jnp.float32)
        + b_ref[...]
    )


def kernel(x, batch, y, W, b):
    ids = batch.astype(jnp.int32)
    sums = _sc_pool(x, ids)
    cnts = pl.pallas_call(
        _cnt_body,
        out_shape=jax.ShapeDtypeStruct((1, NUM_GRAPHS), jnp.float32),
    )(ids.reshape(N_NODES // CNT_BLK, CNT_BLK))
    pred = pl.pallas_call(
        _head_body,
        out_shape=jax.ShapeDtypeStruct((NUM_GRAPHS, DIM_OUT), jnp.float32),
    )(sums, cnts, W, b.reshape(1, DIM_OUT))
    return (pred, y)

# --- scband reference (transcript-rebuilt; emitter-appended) ---
"""Pipeline reference for scband-gnngraph-head-32573031972998 (READ-ONLY COPY).

The authoritative reference and input builder live on the scoring server;
editing this copy changes nothing except your own understanding.
"""

import jax, jax.numpy as jnp
import numpy as np

N_NODES = 50000
DIM_IN = 256
DIM_OUT = 128
NUM_GRAPHS = 512


def setup_inputs(seed: int = 0) -> dict:
    key = jax.random.key(seed)
    k1, k2, k3, k4 = jax.random.split(key, 4)
    x = jax.random.normal(k1, (N_NODES, DIM_IN), dtype=jnp.float32)
    batch = jnp.sort(jax.random.randint(k2, (N_NODES,), 0, NUM_GRAPHS)).astype(jnp.int64)
    y = jax.random.randint(k3, (NUM_GRAPHS,), 0, DIM_OUT).astype(jnp.int64)
    # post-MP MLP params: single Linear(dim_in, dim_out) with bias, no activation
    W = jax.random.normal(k4, (DIM_IN, DIM_OUT), dtype=jnp.float32) * (1.0 / np.sqrt(DIM_IN))
    b = jnp.zeros((DIM_OUT,), dtype=jnp.float32)
    return {"x": x, "batch": batch, "y": y, "W": W, "b": b}


def reference(x, batch, y, W, b):
    # global mean pooling over nodes grouped by graph id (cfg.model.graph_pooling = 'mean')
    sums = jax.ops.segment_sum(x, batch, num_segments=NUM_GRAPHS)
    counts = jax.ops.segment_sum(jnp.ones((x.shape[0],), dtype=x.dtype), batch, num_segments=NUM_GRAPHS)
    graph_emb = sums / jnp.clip(counts, 1.0)[:, None]
    # layer_post_mp: Linear(dim_in -> dim_out), has_bias=True, has_act=False
    pred = graph_emb @ W + b
    # _apply_index returns (batch.graph_feature, batch.y)
    return (pred, y)

if __name__ == "__main__":
    import jax
    _d = setup_inputs()
    print(jax.jit(kernel)(*tuple(_d.values())))

</pallas_src>

<mosaic_0001>
#map = affine_map<(d0, d1) -> (0, 0)>
#map1 = affine_map<(d0, d1) -> (0)>
#map2 = affine_map<(d0, d1) -> (0, 0, 0, 0)>
module attributes {stable_mosaic.version = 14 : i64} {
  func.func @_sc_pool(%arg0: i32, %arg1: i32, %arg2: memref<50000x256xf32, #tpu.memory_space<hbm>>, %arg3: memref<50000xi32, #tpu.memory_space<hbm>>, %arg4: memref<2x16x512x128xf32, #tpu.memory_space<hbm>>, %arg5: memref<3x16x128xf32, #tpu.memory_space<vmem>>, %arg6: memref<3x16xi32, #tpu.memory_space<vmem>>, %arg7: memref<512x128xf32, #tpu.memory_space<vmem>>, %arg8: memref<!tpu.dma_semaphore, #tpu.memory_space<semaphore_mem>>, %arg9: memref<!tpu.dma_semaphore, #tpu.memory_space<semaphore_mem>>, %arg10: memref<!tpu.dma_semaphore, #tpu.memory_space<semaphore_mem>>, %arg11: memref<!tpu.dma_semaphore, #tpu.memory_space<semaphore_mem>>, %arg12: memref<!tpu.dma_semaphore, #tpu.memory_space<semaphore_mem>>, %arg13: memref<!tpu.dma_semaphore, #tpu.memory_space<semaphore_mem>>) attributes {dimension_semantics = [#tpu.dimension_semantics<core_parallel>, #tpu.dimension_semantics<subcore_parallel>], iteration_bounds = array<i64: 2, 16>, scalar_prefetch = 0 : i64, scratch_operands = 9 : i64, tpu.core_type = #tpu.core_type<sc_vector_subcore>, window_params = [{transform_indices = #map}, {transform_indices = #map1}, {transform_indices = #map2}]} {
    %mul3A = arith.constant 128 : i32
    %mul3A_0 = arith.muli %arg0, %mul3A : i32
    %broadcast_in_dim3A = arith.constant 0.000000e+00 : f32
    %broadcast_in_dim3A_1 = vector.broadcast %broadcast_in_dim3A : f32 to vector<16xf32>
    %scan3A = arith.constant 0 : i32
    %scan3A_2 = arith.constant 0 : i32
    %scan3A_3 = arith.constant 512 : i32
    %scan3A_4 = arith.addi %scan3A_2, %scan3A_3 : i32
    %scan3A_5 = arith.constant 1 : i32
    %scan3A_6 = scf.for %scan3A_74 = %scan3A_2 to %scan3A_4 step %scan3A_5 iter_args(%scan3A_75 = %scan3A) -> (i32)  : i32 {
      %swap3A = arith.index_cast %scan3A_74 : i32 to index
      %swap3A_76 = arith.constant 0 : index
      %swap3A_77 = tpu.vector_load %arg7[%swap3A, %swap3A_76] {strides = array<i32>} : memref<512x128xf32, #tpu.memory_space<vmem>>, vector<16xf32>,
      tpu.vector_store %arg7[%swap3A, %swap3A_76], %broadcast_in_dim3A_1 {strides = array<i32>} : memref<512x128xf32, #tpu.memory_space<vmem>>, vector<16xf32>,
      %swap3A_78 = arith.index_cast %scan3A_74 : i32 to index
      %swap3A_79 = arith.constant 16 : index
      %swap3A_80 = tpu.vector_load %arg7[%swap3A_78, %swap3A_79] {strides = array<i32>} : memref<512x128xf32, #tpu.memory_space<vmem>>, vector<16xf32>,
      tpu.vector_store %arg7[%swap3A_78, %swap3A_79], %broadcast_in_dim3A_1 {strides = array<i32>} : memref<512x128xf32, #tpu.memory_space<vmem>>, vector<16xf32>,
      %swap3A_81 = arith.index_cast %scan3A_74 : i32 to index
      %swap3A_82 = arith.constant 32 : index
      %swap3A_83 = tpu.vector_load %arg7[%swap3A_81, %swap3A_82] {strides = array<i32>} : memref<512x128xf32, #tpu.memory_space<vmem>>, vector<16xf32>,
      tpu.vector_store %arg7[%swap3A_81, %swap3A_82], %broadcast_in_dim3A_1 {strides = array<i32>} : memref<512x128xf32, #tpu.memory_space<vmem>>, vector<16xf32>,
      %swap3A_84 = arith.index_cast %scan3A_74 : i32 to index
      %swap3A_85 = arith.constant 48 : index
      %swap3A_86 = tpu.vector_load %arg7[%swap3A_84, %swap3A_85] {strides = array<i32>} : memref<512x128xf32, #tpu.memory_space<vmem>>, vector<16xf32>,
      tpu.vector_store %arg7[%swap3A_84, %swap3A_85], %broadcast_in_dim3A_1 {strides = array<i32>} : memref<512x128xf32, #tpu.memory_space<vmem>>, vector<16xf32>,
      %swap3A_87 = arith.index_cast %scan3A_74 : i32 to index
      %swap3A_88 = arith.constant 64 : index
      %swap3A_89 = tpu.vector_load %arg7[%swap3A_87, %swap3A_88] {strides = array<i32>} : memref<512x128xf32, #tpu.memory_space<vmem>>, vector<16xf32>,
      tpu.vector_store %arg7[%swap3A_87, %swap3A_88], %broadcast_in_dim3A_1 {strides = array<i32>} : memref<512x128xf32, #tpu.memory_space<vmem>>, vector<16xf32>,
      %swap3A_90 = arith.index_cast %scan3A_74 : i32 to index
      %swap3A_91 = arith.constant 80 : index
      %swap3A_92 = tpu.vector_load %arg7[%swap3A_90, %swap3A_91] {strides = array<i32>} : memref<512x128xf32, #tpu.memory_space<vmem>>, vector<16xf32>,
      tpu.vector_store %arg7[%swap3A_90, %swap3A_91], %broadcast_in_dim3A_1 {strides = array<i32>} : memref<512x128xf32, #tpu.memory_space<vmem>>, vector<16xf32>,
      %swap3A_93 = arith.index_cast %scan3A_74 : i32 to index
      %swap3A_94 = arith.constant 96 : index
      %swap3A_95 = tpu.vector_load %arg7[%swap3A_93, %swap3A_94] {strides = array<i32>} : memref<512x128xf32, #tpu.memory_space<vmem>>, vector<16xf32>,
      tpu.vector_store %arg7[%swap3A_93, %swap3A_94], %broadcast_in_dim3A_1 {strides = array<i32>} : memref<512x128xf32, #tpu.memory_space<vmem>>, vector<16xf32>,
      %swap3A_96 = arith.index_cast %scan3A_74 : i32 to index
      %swap3A_97 = arith.constant 112 : index
      %swap3A_98 = tpu.vector_load %arg7[%swap3A_96, %swap3A_97] {strides = array<i32>} : memref<512x128xf32, #tpu.memory_space<vmem>>, vector<16xf32>,
      tpu.vector_store %arg7[%swap3A_96, %swap3A_97], %broadcast_in_dim3A_1 {strides = array<i32>} : memref<512x128xf32, #tpu.memory_space<vmem>>, vector<16xf32>,
      %scan3A_99 = arith.constant 0 : i32
      scf.yield %scan3A_99 : i32
    }
    %scan3A_7 = arith.constant 512 : i32
    %iota3A = tpu.iota {dimensions = array<i32: 0>} : vector<16xi32>
    %add3A = arith.constant 0 : i32
    %add3A_8 = vector.broadcast %add3A : i32 to vector<16xi32>
    %add3A_9 = arith.addi %iota3A, %add3A_8 : vector<16xi32>
    %add3A_10 = arith.constant 16 : i32
    %add3A_11 = vector.broadcast %add3A_10 : i32 to vector<16xi32>
    %add3A_12 = arith.addi %iota3A, %add3A_11 : vector<16xi32>
    %add3A_13 = arith.constant 32 : i32
    %add3A_14 = vector.broadcast %add3A_13 : i32 to vector<16xi32>
    %add3A_15 = arith.addi %iota3A, %add3A_14 : vector<16xi32>
    %add3A_16 = arith.constant 48 : i32
    %add3A_17 = vector.broadcast %add3A_16 : i32 to vector<16xi32>
    %add3A_18 = arith.addi %iota3A, %add3A_17 : vector<16xi32>
    %add3A_19 = arith.constant 64 : i32
    %add3A_20 = vector.broadcast %add3A_19 : i32 to vector<16xi32>
    %add3A_21 = arith.addi %iota3A, %add3A_20 : vector<16xi32>
    %add3A_22 = arith.constant 80 : i32
    %add3A_23 = vector.broadcast %add3A_22 : i32 to vector<16xi32>
    %add3A_24 = arith.addi %iota3A, %add3A_23 : vector<16xi32>
    %add3A_25 = arith.constant 96 : i32
    %add3A_26 = vector.broadcast %add3A_25 : i32 to vector<16xi32>
    %add3A_27 = arith.addi %iota3A, %add3A_26 : vector<16xi32>
    %add3A_28 = arith.constant 112 : i32
    %add3A_29 = vector.broadcast %add3A_28 : i32 to vector<16xi32>
    %add3A_30 = arith.addi %iota3A, %add3A_29 : vector<16xi32>
    %add3A_31 = arith.constant 0 : i32
    %add3A_32 = arith.addi %arg1, %add3A_31 : i32
    %lt3A = arith.constant 3125 : i32
    %lt3A_33 = arith.cmpi slt, %add3A_32, %lt3A : i32
    %convert_element_type3A = arith.extui %lt3A_33 : i1 to i32
    %cond3A = arith.constant 0 : i32
    %cond3A_34 = arith.cmpi ne, %convert_element_type3A, %cond3A : i32
    scf.if %cond3A_34 {
      %mul3A_74 = arith.constant 16 : i32
      %mul3A_75 = arith.muli %add3A_32, %mul3A_74 : i32
      %dma_start3A = arith.constant 0 : i32
      %dma_start3A_76 = arith.constant 0 : i32
      %dma_start3A_77 = arith.constant 0 : i32
      %dma_start3A_78 = tpu.memref_slice %arg5[%dma_start3A, %dma_start3A_76, %dma_start3A_77] : memref<3x16x128xf32, #tpu.memory_space<vmem>> -> memref<1x16x128xf32, #tpu.memory_space<vmem>>
      %dma_start3A_79 = tpu.memref_squeeze %dma_start3A_78 : memref<1x16x128xf32, #tpu.memory_space<vmem>> -> memref<16x128xf32, #tpu.memory_space<vmem>>
      %dma_start3A_80 = tpu.memref_slice %arg2[%mul3A_75, %mul3A_0] : memref<50000x256xf32, #tpu.memory_space<hbm>> -> memref<16x128xf32, #tpu.memory_space<hbm>>
      %dma_start3A_81 = arith.constant 0 : i32
      %dma_start3A_82 = arith.constant 0 : i32
      %dma_start3A_83 = tpu.memref_slice %arg5[%dma_start3A, %dma_start3A_81, %dma_start3A_82] : memref<3x16x128xf32, #tpu.memory_space<vmem>> -> memref<1x16x128xf32, #tpu.memory_space<vmem>>
      %dma_start3A_84 = tpu.memref_squeeze %dma_start3A_83 : memref<1x16x128xf32, #tpu.memory_space<vmem>> -> memref<16x128xf32, #tpu.memory_space<vmem>>
      %dma_start3A_85 = tpu.memref_slice %arg2[%mul3A_75, %mul3A_0] : memref<50000x256xf32, #tpu.memory_space<hbm>> -> memref<16x128xf32, #tpu.memory_space<hbm>>
      tpu.enqueue_dma source(%dma_start3A_85 : memref<16x128xf32, #tpu.memory_space<hbm>>) target(%dma_start3A_84 : memref<16x128xf32, #tpu.memory_space<vmem>>) target_semaphore(%arg8 : memref<!tpu.dma_semaphore, #tpu.memory_space<semaphore_mem>>)
    } else {
    }
    %add3A_35 = arith.constant 16 : i32
    %add3A_36 = arith.addi %arg1, %add3A_35 : i32
    %lt3A_37 = arith.constant 3125 : i32
    %lt3A_38 = arith.cmpi slt, %add3A_36, %lt3A_37 : i32
    %convert_element_type3A_39 = arith.extui %lt3A_38 : i1 to i32
    %cond3A_40 = arith.constant 0 : i32
    %cond3A_41 = arith.cmpi ne, %convert_element_type3A_39, %cond3A_40 : i32
    scf.if %cond3A_41 {
      %mul3A_74 = arith.constant 16 : i32
      %mul3A_75 = arith.muli %add3A_36, %mul3A_74 : i32
      %dma_start3A = arith.constant 1 : i32
      %dma_start3A_76 = arith.constant 0 : i32
      %dma_start3A_77 = arith.constant 0 : i32
      %dma_start3A_78 = tpu.memref_slice %arg5[%dma_start3A, %dma_start3A_76, %dma_start3A_77] : memref<3x16x128xf32, #tpu.memory_space<vmem>> -> memref<1x16x128xf32, #tpu.memory_space<vmem>>
      %dma_start3A_79 = tpu.memref_squeeze %dma_start3A_78 : memref<1x16x128xf32, #tpu.memory_space<vmem>> -> memref<16x128xf32, #tpu.memory_space<vmem>>
      %dma_start3A_80 = tpu.memref_slice %arg2[%mul3A_75, %mul3A_0] : memref<50000x256xf32, #tpu.memory_space<hbm>> -> memref<16x128xf32, #tpu.memory_space<hbm>>
      %dma_start3A_81 = arith.constant 0 : i32
      %dma_start3A_82 = arith.constant 0 : i32
      %dma_start3A_83 = tpu.memref_slice %arg5[%dma_start3A, %dma_start3A_81, %dma_start3A_82] : memref<3x16x128xf32, #tpu.memory_space<vmem>> -> memref<1x16x128xf32, #tpu.memory_space<vmem>>
      %dma_start3A_84 = tpu.memref_squeeze %dma_start3A_83 : memref<1x16x128xf32, #tpu.memory_space<vmem>> -> memref<16x128xf32, #tpu.memory_space<vmem>>
      %dma_start3A_85 = tpu.memref_slice %arg2[%mul3A_75, %mul3A_0] : memref<50000x256xf32, #tpu.memory_space<hbm>> -> memref<16x128xf32, #tpu.memory_space<hbm>>
      tpu.enqueue_dma source(%dma_start3A_85 : memref<16x128xf32, #tpu.memory_space<hbm>>) target(%dma_start3A_84 : memref<16x128xf32, #tpu.memory_space<vmem>>) target_semaphore(%arg9 : memref<!tpu.dma_semaphore, #tpu.memory_space<semaphore_mem>>)
    } else {
    }
    %add3A_42 = arith.constant 32 : i32
    %add3A_43 = arith.addi %arg1, %add3A_42 : i32
    %lt3A_44 = arith.constant 3125 : i32
    %lt3A_45 = arith.cmpi slt, %add3A_43, %lt3A_44 : i32
    %convert_element_type3A_46 = arith.extui %lt3A_45 : i1 to i32
    %cond3A_47 = arith.constant 0 : i32
    %cond3A_48 = arith.cmpi ne, %convert_element_type3A_46, %cond3A_47 : i32
    scf.if %cond3A_48 {
      %mul3A_74 = arith.constant 16 : i32
      %mul3A_75 = arith.muli %add3A_43, %mul3A_74 : i32
      %dma_start3A = arith.constant 2 : i32
      %dma_start3A_76 = arith.constant 0 : i32
      %dma_start3A_77 = arith.constant 0 : i32
      %dma_start3A_78 = tpu.memref_slice %arg5[%dma_start3A, %dma_start3A_76, %dma_start3A_77] : memref<3x16x128xf32, #tpu.memory_space<vmem>> -> memref<1x16x128xf32, #tpu.memory_space<vmem>>
      %dma_start3A_79 = tpu.memref_squeeze %dma_start3A_78 : memref<1x16x128xf32, #tpu.memory_space<vmem>> -> memref<16x128xf32, #tpu.memory_space<vmem>>
      %dma_start3A_80 = tpu.memref_slice %arg2[%mul3A_75, %mul3A_0] : memref<50000x256xf32, #tpu.memory_space<hbm>> -> memref<16x128xf32, #tpu.memory_space<hbm>>
      %dma_start3A_81 = arith.constant 0 : i32
      %dma_start3A_82 = arith.constant 0 : i32
      %dma_start3A_83 = tpu.memref_slice %arg5[%dma_start3A, %dma_start3A_81, %dma_start3A_82] : memref<3x16x128xf32, #tpu.memory_space<vmem>> -> memref<1x16x128xf32, #tpu.memory_space<vmem>>
      %dma_start3A_84 = tpu.memref_squeeze %dma_start3A_83 : memref<1x16x128xf32, #tpu.memory_space<vmem>> -> memref<16x128xf32, #tpu.memory_space<vmem>>
      %dma_start3A_85 = tpu.memref_slice %arg2[%mul3A_75, %mul3A_0] : memref<50000x256xf32, #tpu.memory_space<hbm>> -> memref<16x128xf32, #tpu.memory_space<hbm>>
      tpu.enqueue_dma source(%dma_start3A_85 : memref<16x128xf32, #tpu.memory_space<hbm>>) target(%dma_start3A_84 : memref<16x128xf32, #tpu.memory_space<vmem>>) target_semaphore(%arg10 : memref<!tpu.dma_semaphore, #tpu.memory_space<semaphore_mem>>)
    } else {
    }
    %broadcast_in_dim3A_49 = arith.constant 0.000000e+00 : f32
    %broadcast_in_dim3A_50 = vector.broadcast %broadcast_in_dim3A_49 : f32 to vector<16xf32>
    %broadcast_in_dim3A_51 = arith.constant 0.000000e+00 : f32
    %broadcast_in_dim3A_52 = vector.broadcast %broadcast_in_dim3A_51 : f32 to vector<16xf32>
    %broadcast_in_dim3A_53 = arith.constant 0.000000e+00 : f32
    %broadcast_in_dim3A_54 = vector.broadcast %broadcast_in_dim3A_53 : f32 to vector<16xf32>
    %broadcast_in_dim3A_55 = arith.constant 0.000000e+00 : f32
    %broadcast_in_dim3A_56 = vector.broadcast %broadcast_in_dim3A_55 : f32 to vector<16xf32>
    %broadcast_in_dim3A_57 = arith.constant 0.000000e+00 : f32
    %broadcast_in_dim3A_58 = vector.broadcast %broadcast_in_dim3A_57 : f32 to vector<16xf32>
    %broadcast_in_dim3A_59 = arith.constant 0.000000e+00 : f32
    %broadcast_in_dim3A_60 = vector.broadcast %broadcast_in_dim3A_59 : f32 to vector<16xf32>
    %broadcast_in_dim3A_61 = arith.constant 0.000000e+00 : f32
    %broadcast_in_dim3A_62 = vector.broadcast %broadcast_in_dim3A_61 : f32 to vector<16xf32>
    %broadcast_in_dim3A_63 = arith.constant 0.000000e+00 : f32
    %broadcast_in_dim3A_64 = vector.broadcast %broadcast_in_dim3A_63 : f32 to vector<16xf32>
    %broadcast_in_dim3A_65 = arith.constant -1 : i32
    %broadcast_in_dim3A_66 = vector.broadcast %broadcast_in_dim3A_65 : i32 to vector<16xi32>
    %scan3A_67 = arith.constant 0 : i32
    %scan3A_68 = arith.constant 66 : i32
    %scan3A_69 = arith.addi %scan3A_67, %scan3A_68 : i32
    %scan3A_70 = arith.constant 1 : i32
    scf.for %scan3A_74 = %scan3A_67 to %scan3A_69 step %scan3A_70  : i32 {
      %mul3A_75 = arith.constant 3 : i32
      %mul3A_76 = arith.muli %scan3A_74, %mul3A_75 : i32
      %add3A_77 = arith.constant 0 : i32
      %add3A_78 = arith.addi %mul3A_76, %add3A_77 : i32
      %mul3A_79 = arith.constant 16 : i32
      %mul3A_80 = arith.muli %add3A_78, %mul3A_79 : i32
      %add3A_81 = arith.addi %arg1, %mul3A_80 : i32
      %lt3A_82 = arith.constant 3125 : i32
      %lt3A_83 = arith.cmpi slt, %add3A_81, %lt3A_82 : i32
      %convert_element_type3A_84 = arith.extui %lt3A_83 : i1 to i32
      %cond3A_85 = arith.constant 0 : i32
      %cond3A_86 = arith.cmpi ne, %convert_element_type3A_84, %cond3A_85 : i32
      scf.if %cond3A_86 {
        %dma_wait3A = arith.constant 0 : i32
        %dma_wait3A_111 = arith.constant 0 : i32
        %dma_wait3A_112 = arith.constant 0 : i32
        %dma_wait3A_113 = tpu.memref_slice %arg5[%dma_wait3A, %dma_wait3A_111, %dma_wait3A_112] : memref<3x16x128xf32, #tpu.memory_space<vmem>> -> memref<1x16x128xf32, #tpu.memory_space<vmem>>
        %dma_wait3A_114 = tpu.memref_squeeze %dma_wait3A_113 : memref<1x16x128xf32, #tpu.memory_space<vmem>> -> memref<16x128xf32, #tpu.memory_space<vmem>>
        %dma_wait3A_115 = arith.constant 0 : i32
        %dma_wait3A_116 = tpu.memref_slice %arg2[%dma_wait3A_115, %mul3A_0] : memref<50000x256xf32, #tpu.memory_space<hbm>> -> memref<16x128xf32, #tpu.memory_space<hbm>>
        %dma_wait3A_117 = arith.constant 0 : i32
        %dma_wait3A_118 = arith.constant 0 : i32
        %dma_wait3A_119 = tpu.memref_slice %arg5[%dma_wait3A, %dma_wait3A_117, %dma_wait3A_118] : memref<3x16x128xf32, #tpu.memory_space<vmem>> -> memref<1x16x128xf32, #tpu.memory_space<vmem>>
        %dma_wait3A_120 = tpu.memref_squeeze %dma_wait3A_119 : memref<1x16x128xf32, #tpu.memory_space<vmem>> -> memref<16x128xf32, #tpu.memory_space<vmem>>
        %dma_wait3A_121 = arith.constant 0 : i32
        %dma_wait3A_122 = tpu.memref_slice %arg2[%dma_wait3A_121, %mul3A_0] : memref<50000x256xf32, #tpu.memory_space<hbm>> -> memref<16x128xf32, #tpu.memory_space<hbm>>
        tpu.wait_dma2 semaphore(%arg8 : memref<!tpu.dma_semaphore, #tpu.memory_space<semaphore_mem>>) src(%dma_wait3A_122 : memref<16x128xf32, #tpu.memory_space<hbm>>) dst(%dma_wait3A_120 : memref<16x128xf32, #tpu.memory_space<vmem>>)
        %add3A_123 = arith.constant 3 : i32
        %add3A_124 = arith.addi %add3A_78, %add3A_123 : i32
        %mul3A_125 = arith.constant 16 : i32
        %mul3A_126 = arith.muli %add3A_124, %mul3A_125 : i32
        %add3A_127 = arith.addi %arg1, %mul3A_126 : i32
        %lt3A_128 = arith.constant 3125 : i32
        %lt3A_129 = arith.cmpi slt, %add3A_127, %lt3A_128 : i32
        %convert_element_type3A_130 = arith.extui %lt3A_129 : i1 to i32
        %cond3A_131 = arith.constant 0 : i32
        %cond3A_132 = arith.cmpi ne, %convert_element_type3A_130, %cond3A_131 : i32
        scf.if %cond3A_132 {
          %mul3A_133 = arith.constant 16 : i32
          %mul3A_134 = arith.muli %add3A_127, %mul3A_133 : i32
          %dma_start3A = arith.constant 0 : i32
          %dma_start3A_135 = arith.constant 0 : i32
          %dma_start3A_136 = arith.constant 0 : i32
          %dma_start3A_137 = tpu.memref_slice %arg5[%dma_start3A, %dma_start3A_135, %dma_start3A_136] : memref<3x16x128xf32, #tpu.memory_space<vmem>> -> memref<1x16x128xf32, #tpu.memory_space<vmem>>
          %dma_start3A_138 = tpu.memref_squeeze %dma_start3A_137 : memref<1x16x128xf32, #tpu.memory_space<vmem>> -> memref<16x128xf32, #tpu.memory_space<vmem>>
          %dma_start3A_139 = tpu.memref_slice %arg2[%mul3A_134, %mul3A_0] : memref<50000x256xf32, #tpu.memory_space<hbm>> -> memref<16x128xf32, #tpu.memory_space<hbm>>
          %dma_start3A_140 = arith.constant 0 : i32
          %dma_start3A_141 = arith.constant 0 : i32
          %dma_start3A_142 = tpu.memref_slice %arg5[%dma_start3A, %dma_start3A_140, %dma_start3A_141] : memref<3x16x128xf32, #tpu.memory_space<vmem>> -> memref<1x16x128xf32, #tpu.memory_space<vmem>>
          %dma_start3A_143 = tpu.memref_squeeze %dma_start3A_142 : memref<1x16x128xf32, #tpu.memory_space<vmem>> -> memref<16x128xf32, #tpu.memory_space<vmem>>
          %dma_start3A_144 = tpu.memref_slice %arg2[%mul3A_134, %mul3A_0] : memref<50000x256xf32, #tpu.memory_space<hbm>> -> memref<16x128xf32, #tpu.memory_space<hbm>>
          tpu.enqueue_dma source(%dma_start3A_144 : memref<16x128xf32, #tpu.memory_space<hbm>>) target(%dma_start3A_143 : memref<16x128xf32, #tpu.memory_space<vmem>>) target_semaphore(%arg8 : memref<!tpu.dma_semaphore, #tpu.memory_space<semaphore_mem>>)
        } else {
        }
      } else {
      }
      %mul3A_87 = arith.constant 3 : i32
      %mul3A_88 = arith.muli %scan3A_74, %mul3A_87 : i32
      %add3A_89 = arith.constant 1 : i32
      %add3A_90 = arith.addi %mul3A_88, %add3A_89 : i32
      %mul3A_91 = arith.constant 16 : i32
      %mul3A_92 = arith.muli %add3A_90, %mul3A_91 : i32
      %add3A_93 = arith.addi %arg1, %mul3A_92 : i32
      %lt3A_94 = arith.constant 3125 : i32
      %lt3A_95 = arith.cmpi slt, %add3A_93, %lt3A_94 : i32
      %convert_element_type3A_96 = arith.extui %lt3A_95 : i1 to i32
      %cond3A_97 = arith.constant 0 : i32
      %cond3A_98 = arith.cmpi ne, %convert_element_type3A_96, %cond3A_97 : i32
      scf.if %cond3A_98 {
        %dma_wait3A = arith.constant 1 : i32
        %dma_wait3A_111 = arith.constant 0 : i32
        %dma_wait3A_112 = arith.constant 0 : i32
        %dma_wait3A_113 = tpu.memref_slice %arg5[%dma_wait3A, %dma_wait3A_111, %dma_wait3A_112] : memref<3x16x128xf32, #tpu.memory_space<vmem>> -> memref<1x16x128xf32, #tpu.memory_space<vmem>>
        %dma_wait3A_114 = tpu.memref_squeeze %dma_wait3A_113 : memref<1x16x128xf32, #tpu.memory_space<vmem>> -> memref<16x128xf32, #tpu.memory_space<vmem>>
        %dma_wait3A_115 = arith.constant 0 : i32
        %dma_wait3A_116 = tpu.memref_slice %arg2[%dma_wait3A_115, %mul3A_0] : memref<50000x256xf32, #tpu.memory_space<hbm>> -> memref<16x128xf32, #tpu.memory_space<hbm>>
        %dma_wait3A_117 = arith.constant 0 : i32
        %dma_wait3A_118 = arith.constant 0 : i32
        %dma_wait3A_119 = tpu.memref_slice %arg5[%dma_wait3A, %dma_wait3A_117, %dma_wait3A_118] : memref<3x16x128xf32, #tpu.memory_space<vmem>> -> memref<1x16x128xf32, #tpu.memory_space<vmem>>
        %dma_wait3A_120 = tpu.memref_squeeze %dma_wait3A_119 : memref<1x16x128xf32, #tpu.memory_space<vmem>> -> memref<16x128xf32, #tpu.memory_space<vmem>>
        %dma_wait3A_121 = arith.constant 0 : i32
        %dma_wait3A_122 = tpu.memref_slice %arg2[%dma_wait3A_121, %mul3A_0] : memref<50000x256xf32, #tpu.memory_space<hbm>> -> memref<16x128xf32, #tpu.memory_space<hbm>>
        tpu.wait_dma2 semaphore(%arg9 : memref<!tpu.dma_semaphore, #tpu.memory_space<semaphore_mem>>) src(%dma_wait3A_122 : memref<16x128xf32, #tpu.memory_space<hbm>>) dst(%dma_wait3A_120 : memref<16x128xf32, #tpu.memory_space<vmem>>)
        %add3A_123 = arith.constant 3 : i32
        %add3A_124 = arith.addi %add3A_90, %add3A_123 : i32
        %mul3A_125 = arith.constant 16 : i32
        %mul3A_126 = arith.muli %add3A_124, %mul3A_125 : i32
        %add3A_127 = arith.addi %arg1, %mul3A_126 : i32
        %lt3A_128 = arith.constant 3125 : i32
        %lt3A_129 = arith.cmpi slt, %add3A_127, %lt3A_128 : i32
        %convert_element_type3A_130 = arith.extui %lt3A_129 : i1 to i32
        %cond3A_131 = arith.constant 0 : i32
        %cond3A_132 = arith.cmpi ne, %convert_element_type3A_130, %cond3A_131 : i32
        scf.if %cond3A_132 {
          %mul3A_133 = arith.constant 16 : i32
          %mul3A_134 = arith.muli %add3A_127, %mul3A_133 : i32
          %dma_start3A = arith.constant 1 : i32
          %dma_start3A_135 = arith.constant 0 : i32
          %dma_start3A_136 = arith.constant 0 : i32
          %dma_start3A_137 = tpu.memref_slice %arg5[%dma_start3A, %dma_start3A_135, %dma_start3A_136] : memref<3x16x128xf32, #tpu.memory_space<vmem>> -> memref<1x16x128xf32, #tpu.memory_space<vmem>>
          %dma_start3A_138 = tpu.memref_squeeze %dma_start3A_137 : memref<1x16x128xf32, #tpu.memory_space<vmem>> -> memref<16x128xf32, #tpu.memory_space<vmem>>
          %dma_start3A_139 = tpu.memref_slice %arg2[%mul3A_134, %mul3A_0] : memref<50000x256xf32, #tpu.memory_space<hbm>> -> memref<16x128xf32, #tpu.memory_space<hbm>>
          %dma_start3A_140 = arith.constant 0 : i32
          %dma_start3A_141 = arith.constant 0 : i32
          %dma_start3A_142 = tpu.memref_slice %arg5[%dma_start3A, %dma_start3A_140, %dma_start3A_141] : memref<3x16x128xf32, #tpu.memory_space<vmem>> -> memref<1x16x128xf32, #tpu.memory_space<vmem>>
          %dma_start3A_143 = tpu.memref_squeeze %dma_start3A_142 : memref<1x16x128xf32, #tpu.memory_space<vmem>> -> memref<16x128xf32, #tpu.memory_space<vmem>>
          %dma_start3A_144 = tpu.memref_slice %arg2[%mul3A_134, %mul3A_0] : memref<50000x256xf32, #tpu.memory_space<hbm>> -> memref<16x128xf32, #tpu.memory_space<hbm>>
          tpu.enqueue_dma source(%dma_start3A_144 : memref<16x128xf32, #tpu.memory_space<hbm>>) target(%dma_start3A_143 : memref<16x128xf32, #tpu.memory_space<vmem>>) target_semaphore(%arg9 : memref<!tpu.dma_semaphore, #tpu.memory_space<semaphore_mem>>)
        } else {
        }
      } else {
      }
      %mul3A_99 = arith.constant 3 : i32
      %mul3A_100 = arith.muli %scan3A_74, %mul3A_99 : i32
      %add3A_101 = arith.constant 2 : i32
      %add3A_102 = arith.addi %mul3A_100, %add3A_101 : i32
      %mul3A_103 = arith.constant 16 : i32
      %mul3A_104 = arith.muli %add3A_102, %mul3A_103 : i32
      %add3A_105 = arith.addi %arg1, %mul3A_104 : i32
      %lt3A_106 = arith.constant 3125 : i32
      %lt3A_107 = arith.cmpi slt, %add3A_105, %lt3A_106 : i32
      %convert_element_type3A_108 = arith.extui %lt3A_107 : i1 to i32
      %cond3A_109 = arith.constant 0 : i32
      %cond3A_110 = arith.cmpi ne, %convert_element_type3A_108, %cond3A_109 : i32
      scf.if %cond3A_110 {
        %dma_wait3A = arith.constant 2 : i32
        %dma_wait3A_111 = arith.constant 0 : i32
        %dma_wait3A_112 = arith.constant 0 : i32
        %dma_wait3A_113 = tpu.memref_slice %arg5[%dma_wait3A, %dma_wait3A_111, %dma_wait3A_112] : memref<3x16x128xf32, #tpu.memory_space<vmem>> -> memref<1x16x128xf32, #tpu.memory_space<vmem>>
        %dma_wait3A_114 = tpu.memref_squeeze %dma_wait3A_113 : memref<1x16x128xf32, #tpu.memory_space<vmem>> -> memref<16x128xf32, #tpu.memory_space<vmem>>
        %dma_wait3A_115 = arith.constant 0 : i32
        %dma_wait3A_116 = tpu.memref_slice %arg2[%dma_wait3A_115, %mul3A_0] : memref<50000x256xf32, #tpu.memory_space<hbm>> -> memref<16x128xf32, #tpu.memory_space<hbm>>
        %dma_wait3A_117 = arith.constant 0 : i32
        %dma_wait3A_118 = arith.constant 0 : i32
        %dma_wait3A_119 = tpu.memref_slice %arg5[%dma_wait3A, %dma_wait3A_117, %dma_wait3A_118] : memref<3x16x128xf32, #tpu.memory_space<vmem>> -> memref<1x16x128xf32, #tpu.memory_space<vmem>>
        %dma_wait3A_120 = tpu.memref_squeeze %dma_wait3A_119 : memref<1x16x128xf32, #tpu.memory_space<vmem>> -> memref<16x128xf32, #tpu.memory_space<vmem>>
        %dma_wait3A_121 = arith.constant 0 : i32
        %dma_wait3A_122 = tpu.memref_slice %arg2[%dma_wait3A_121, %mul3A_0] : memref<50000x256xf32, #tpu.memory_space<hbm>> -> memref<16x128xf32, #tpu.memory_space<hbm>>
        tpu.wait_dma2 semaphore(%arg10 : memref<!tpu.dma_semaphore, #tpu.memory_space<semaphore_mem>>) src(%dma_wait3A_122 : memref<16x128xf32, #tpu.memory_space<hbm>>) dst(%dma_wait3A_120 : memref<16x128xf32, #tpu.memory_space<vmem>>)
        %add3A_123 = arith.constant 3 : i32
        %add3A_124 = arith.addi %add3A_102, %add3A_123 : i32
        %mul3A_125 = arith.constant 16 : i32
        %mul3A_126 = arith.muli %add3A_124, %mul3A_125 : i32
        %add3A_127 = arith.addi %arg1, %mul3A_126 : i32
        %lt3A_128 = arith.constant 3125 : i32
        %lt3A_129 = arith.cmpi slt, %add3A_127, %lt3A_128 : i32
        %convert_element_type3A_130 = arith.extui %lt3A_129 : i1 to i32
        %cond3A_131 = arith.constant 0 : i32
        %cond3A_132 = arith.cmpi ne, %convert_element_type3A_130, %cond3A_131 : i32
        scf.if %cond3A_132 {
          %mul3A_133 = arith.constant 16 : i32
          %mul3A_134 = arith.muli %add3A_127, %mul3A_133 : i32
          %dma_start3A = arith.constant 2 : i32
          %dma_start3A_135 = arith.constant 0 : i32
          %dma_start3A_136 = arith.constant 0 : i32
          %dma_start3A_137 = tpu.memref_slice %arg5[%dma_start3A, %dma_start3A_135, %dma_start3A_136] : memref<3x16x128xf32, #tpu.memory_space<vmem>> -> memref<1x16x128xf32, #tpu.memory_space<vmem>>
          %dma_start3A_138 = tpu.memref_squeeze %dma_start3A_137 : memref<1x16x128xf32, #tpu.memory_space<vmem>> -> memref<16x128xf32, #tpu.memory_space<vmem>>
          %dma_start3A_139 = tpu.memref_slice %arg2[%mul3A_134, %mul3A_0] : memref<50000x256xf32, #tpu.memory_space<hbm>> -> memref<16x128xf32, #tpu.memory_space<hbm>>
          %dma_start3A_140 = arith.constant 0 : i32
          %dma_start3A_141 = arith.constant 0 : i32
          %dma_start3A_142 = tpu.memref_slice %arg5[%dma_start3A, %dma_start3A_140, %dma_start3A_141] : memref<3x16x128xf32, #tpu.memory_space<vmem>> -> memref<1x16x128xf32, #tpu.memory_space<vmem>>
          %dma_start3A_143 = tpu.memref_squeeze %dma_start3A_142 : memref<1x16x128xf32, #tpu.memory_space<vmem>> -> memref<16x128xf32, #tpu.memory_space<vmem>>
          %dma_start3A_144 = tpu.memref_slice %arg2[%mul3A_134, %mul3A_0] : memref<50000x256xf32, #tpu.memory_space<hbm>> -> memref<16x128xf32, #tpu.memory_space<hbm>>
          tpu.enqueue_dma source(%dma_start3A_144 : memref<16x128xf32, #tpu.memory_space<hbm>>) target(%dma_start3A_143 : memref<16x128xf32, #tpu.memory_space<vmem>>) target_semaphore(%arg10 : memref<!tpu.dma_semaphore, #tpu.memory_space<semaphore_mem>>)
        } else {
        }
      } else {
      }
    }
    %scan3A_71 = arith.constant 66 : i32
    %ge3A = arith.constant 0 : i32
    %ge3A_72 = vector.broadcast %ge3A : i32 to vector<16xi32>
    %ge3A_73 = arith.cmpi sge, %broadcast_in_dim3A_66, %ge3A_72 : vector<16xi32>
    tpu.vector_store_idx %arg7[%broadcast_in_dim3A_66, %add3A_9], %broadcast_in_dim3A_50 masked %ge3A_73 {add = true} : memref<512x128xf32, #tpu.memory_space<vmem>>[vector<16xi32>, vector<16xi32>], vector<16xf32>, vector<16xi1>
    tpu.vector_store_idx %arg7[%broadcast_in_dim3A_66, %add3A_12], %broadcast_in_dim3A_52 masked %ge3A_73 {add = true} : memref<512x128xf32, #tpu.memory_space<vmem>>[vector<16xi32>, vector<16xi32>], vector<16xf32>, vector<16xi1>
    tpu.vector_store_idx %arg7[%broadcast_in_dim3A_66, %add3A_15], %broadcast_in_dim3A_54 masked %ge3A_73 {add = true} : memref<512x128xf32, #tpu.memory_space<vmem>>[vector<16xi32>, vector<16xi32>], vector<16xf32>, vector<16xi1>
    tpu.vector_store_idx %arg7[%broadcast_in_dim3A_66, %add3A_18], %broadcast_in_dim3A_56 masked %ge3A_73 {add = true} : memref<512x128xf32, #tpu.memory_space<vmem>>[vector<16xi32>, vector<16xi32>], vector<16xf32>, vector<16xi1>
    tpu.vector_store_idx %arg7[%broadcast_in_dim3A_66, %add3A_21], %broadcast_in_dim3A_58 masked %ge3A_73 {add = true} : memref<512x128xf32, #tpu.memory_space<vmem>>[vector<16xi32>, vector<16xi32>], vector<16xf32>, vector<16xi1>
    tpu.vector_store_idx %arg7[%broadcast_in_dim3A_66, %add3A_24], %broadcast_in_dim3A_60 masked %ge3A_73 {add = true} : memref<512x128xf32, #tpu.memory_space<vmem>>[vector<16xi32>, vector<16xi32>], vector<16xf32>, vector<16xi1>
    tpu.vector_store_idx %arg7[%broadcast_in_dim3A_66, %add3A_27], %broadcast_in_dim3A_62 masked %ge3A_73 {add = true} : memref<512x128xf32, #tpu.memory_space<vmem>>[vector<16xi32>, vector<16xi32>], vector<16xf32>, vector<16xi1>
    tpu.vector_store_idx %arg7[%broadcast_in_dim3A_66, %add3A_30], %broadcast_in_dim3A_64 masked %ge3A_73 {add = true} : memref<512x128xf32, #tpu.memory_space<vmem>>[vector<16xi32>, vector<16xi32>], vector<16xf32>, vector<16xi1>
    "tpu.region"() ({
      %run_scoped3A = tpu.sem_alloc : memref<!tpu.dma_semaphore, #tpu.memory_space<semaphore_mem>>
      %dma_start3A = arith.constant 0 : i32
      %dma_start3A_74 = arith.constant 0 : i32
      %dma_start3A_75 = tpu.memref_slice %arg4[%arg0, %arg1, %dma_start3A, %dma_start3A_74] : memref<2x16x512x128xf32, #tpu.memory_space<hbm>> -> memref<1x1x512x128xf32, #tpu.memory_space<hbm>>
      %dma_start3A_76 = tpu.memref_squeeze %dma_start3A_75 : memref<1x1x512x128xf32, #tpu.memory_space<hbm>> -> memref<512x128xf32, #tpu.memory_space<hbm>>
      %dma_start3A_77 = arith.constant 0 : i32
      %dma_start3A_78 = arith.constant 0 : i32
      %dma_start3A_79 = tpu.memref_slice %arg4[%arg0, %arg1, %dma_start3A_77, %dma_start3A_78] : memref<2x16x512x128xf32, #tpu.memory_space<hbm>> -> memref<1x1x512x128xf32, #tpu.memory_space<hbm>>
      %dma_start3A_80 = tpu.memref_squeeze %dma_start3A_79 : memref<1x1x512x128xf32, #tpu.memory_space<hbm>> -> memref<512x128xf32, #tpu.memory_space<hbm>>
      tpu.enqueue_dma source(%arg7 : memref<512x128xf32, #tpu.memory_space<vmem>>) target(%dma_start3A_80 : memref<512x128xf32, #tpu.memory_space<hbm>>) target_semaphore(%run_scoped3A : memref<!tpu.dma_semaphore, #tpu.memory_space<semaphore_mem>>)
      %dma_wait3A = arith.constant 0 : i32
      %dma_wait3A_81 = arith.constant 0 : i32
      %dma_wait3A_82 = tpu.memref_slice %arg4[%arg0, %arg1, %dma_wait3A, %dma_wait3A_81] : memref<2x16x512x128xf32, #tpu.memory_space<hbm>> -> memref<1x1x512x128xf32, #tpu.memory_space<hbm>>
      %dma_wait3A_83 = tpu.memref_squeeze %dma_wait3A_82 : memref<1x1x512x128xf32, #tpu.memory_space<hbm>> -> memref<512x128xf32, #tpu.memory_space<hbm>>
      %dma_wait3A_84 = arith.constant 0 : i32
      %dma_wait3A_85 = arith.constant 0 : i32
      %dma_wait3A_86 = tpu.memref_slice %arg4[%arg0, %arg1, %dma_wait3A_84, %dma_wait3A_85] : memref<2x16x512x128xf32, #tpu.memory_space<hbm>> -> memref<1x1x512x128xf32, #tpu.memory_space<hbm>>
      %dma_wait3A_87 = tpu.memref_squeeze %dma_wait3A_86 : memref<1x1x512x128xf32, #tpu.memory_space<hbm>> -> memref<512x128xf32, #tpu.memory_space<hbm>>
      tpu.wait_dma2 semaphore(%run_scoped3A : memref<!tpu.dma_semaphore, #tpu.memory_space<semaphore_mem>>) src(%arg7 : memref<512x128xf32, #tpu.memory_space<vmem>>) dst(%dma_wait3A_87 : memref<512x128xf32, #tpu.memory_space<hbm>>)
      tpu.yield
    }) : () -> ()
    return
  }
}

module attributes {stable_mosaic.version = 14 : i64} {
  func.func @_cnt_body(%arg0: memref<25x2000xi32, #tpu.memory_space<vmem>>, %arg1: memref<1x512xf32, #tpu.memory_space<vmem>>) attributes {dimension_semantics = [], scalar_prefetch = 0 : i64, scratch_operands = 0 : i64, tpu.core_type = #tpu.core_type<tc>} {
    %iota3A = tpu.iota {dimensions = array<i32: 1>} : vector<1x512xi32>
    %broadcast_in_dim3A = arith.constant 0.000000e+00 : f32
    %broadcast_in_dim3A_0 = vector.broadcast %broadcast_in_dim3A : f32 to vector<512xf32>
    %get3A = arith.constant 0 : index
    %get3A_1 = arith.constant 0 : index
    %get3A_2 = vector.load %arg0[%get3A, %get3A_1] : memref<25x2000xi32, #tpu.memory_space<vmem>>, vector<1x2000xi32>
    %get3A_3 = vector.shape_cast %get3A_2 : vector<1x2000xi32> to vector<2000xi32>
    %broadcast_in_dim3A_4 = vector.shape_cast %get3A_3 : vector<2000xi32> to vector<2000x1xi32>
    %eq3A = vector.broadcast %broadcast_in_dim3A_4 : vector<2000x1xi32> to vector<2000x512xi32>
    %eq3A_5 = vector.broadcast %iota3A : vector<1x512xi32> to vector<2000x512xi32>
    %eq3A_6 = arith.cmpi eq, %eq3A, %eq3A_5 : vector<2000x512xi32>
    %convert_element_type3A = arith.extui %eq3A_6 : vector<2000x512xi1> to vector<2000x512xi32>
    %convert_element_type3A_7 = arith.sitofp %convert_element_type3A : vector<2000x512xi32> to vector<2000x512xf32>
    %reduce_sum3A = arith.constant dense<0.000000e+00> : vector<512xf32>
    %reduce_sum3A_8 = vector.multi_reduction <add>, %convert_element_type3A_7, %reduce_sum3A [0] : vector<2000x512xf32> to vector<512xf32>
    %add3A = arith.addf %broadcast_in_dim3A_0, %reduce_sum3A_8 : vector<512xf32>
    %get3A_9 = arith.constant 1 : index
    %get3A_10 = arith.constant 0 : index
    %get3A_11 = vector.load %arg0[%get3A_9, %get3A_10] : memref<25x2000xi32, #tpu.memory_space<vmem>>, vector<1x2000xi32>
    %get3A_12 = vector.shape_cast %get3A_11 : vector<1x2000xi32> to vector<2000xi32>
    %broadcast_in_dim3A_13 = vector.shape_cast %get3A_12 : vector<2000xi32> to vector<2000x1xi32>
    %eq3A_14 = vector.broadcast %broadcast_in_dim3A_13 : vector<2000x1xi32> to vector<2000x512xi32>
    %eq3A_15 = vector.broadcast %iota3A : vector<1x512xi32> to vector<2000x512xi32>
    %eq3A_16 = arith.cmpi eq, %eq3A_14, %eq3A_15 : vector<2000x512xi32>
    %convert_element_type3A_17 = arith.extui %eq3A_16 : vector<2000x512xi1> to vector<2000x512xi32>
    %convert_element_type3A_18 = arith.sitofp %convert_element_type3A_17 : vector<2000x512xi32> to vector<2000x512xf32>
    %reduce_sum3A_19 = arith.constant dense<0.000000e+00> : vector<512xf32>
    %reduce_sum3A_20 = vector.multi_reduction <add>, %convert_element_type3A_18, %reduce_sum3A_19 [0] : vector<2000x512xf32> to vector<512xf32>
    %add3A_21 = arith.addf %add3A, %reduce_sum3A_20 : vector<512xf32>
    %get3A_22 = arith.constant 2 : index
    %get3A_23 = arith.constant 0 : index
    %get3A_24 = vector.load %arg0[%get3A_22, %get3A_23] : memref<25x2000xi32, #tpu.memory_space<vmem>>, vector<1x2000xi32>
    %get3A_25 = vector.shape_cast %get3A_24 : vector<1x2000xi32> to vector<2000xi32>
    %broadcast_in_dim3A_26 = vector.shape_cast %get3A_25 : vector<2000xi32> to vector<2000x1xi32>
    %eq3A_27 = vector.broadcast %broadcast_in_dim3A_26 : vector<2000x1xi32> to vector<2000x512xi32>
    %eq3A_28 = vector.broadcast %iota3A : vector<1x512xi32> to vector<2000x512xi32>
    %eq3A_29 = arith.cmpi eq, %eq3A_27, %eq3A_28 : vector<2000x512xi32>
    %convert_element_type3A_30 = arith.extui %eq3A_29 : vector<2000x512xi1> to vector<2000x512xi32>
    %convert_element_type3A_31 = arith.sitofp %convert_element_type3A_30 : vector<2000x512xi32> to vector<2000x512xf32>
    %reduce_sum3A_32 = arith.constant dense<0.000000e+00> : vector<512xf32>
    %reduce_sum3A_33 = vector.multi_reduction <add>, %convert_element_type3A_31, %reduce_sum3A_32 [0] : vector<2000x512xf32> to vector<512xf32>
    %add3A_34 = arith.addf %add3A_21, %reduce_sum3A_33 : vector<512xf32>
    %get3A_35 = arith.constant 3 : index
    %get3A_36 = arith.constant 0 : index
    %get3A_37 = vector.load %arg0[%get3A_35, %get3A_36] : memref<25x2000xi32, #tpu.memory_space<vmem>>, vector<1x2000xi32>
    %get3A_38 = vector.shape_cast %get3A_37 : vector<1x2000xi32> to vector<2000xi32>
    %broadcast_in_dim3A_39 = vector.shape_cast %get3A_38 : vector<2000xi32> to vector<2000x1xi32>
    %eq3A_40 = vector.broadcast %broadcast_in_dim3A_39 : vector<2000x1xi32> to vector<2000x512xi32>
    %eq3A_41 = vector.broadcast %iota3A : vector<1x512xi32> to vector<2000x512xi32>
    %eq3A_42 = arith.cmpi eq, %eq3A_40, %eq3A_41 : vector<2000x512xi32>
    %convert_element_type3A_43 = arith.extui %eq3A_42 : vector<2000x512xi1> to vector<2000x512xi32>
    %convert_element_type3A_44 = arith.sitofp %convert_element_type3A_43 : vector<2000x512xi32> to vector<2000x512xf32>
    %reduce_sum3A_45 = arith.constant dense<0.000000e+00> : vector<512xf32>
    %reduce_sum3A_46 = vector.multi_reduction <add>, %convert_element_type3A_44, %reduce_sum3A_45 [0] : vector<2000x512xf32> to vector<512xf32>
    %add3A_47 = arith.addf %add3A_34, %reduce_sum3A_46 : vector<512xf32>
    %get3A_48 = arith.constant 4 : index
    %get3A_49 = arith.constant 0 : index
    %get3A_50 = vector.load %arg0[%get3A_48, %get3A_49] : memref<25x2000xi32, #tpu.memory_space<vmem>>, vector<1x2000xi32>
    %get3A_51 = vector.shape_cast %get3A_50 : vector<1x2000xi32> to vector<2000xi32>
    %broadcast_in_dim3A_52 = vector.shape_cast %get3A_51 : vector<2000xi32> to vector<2000x1xi32>
    %eq3A_53 = vector.broadcast %broadcast_in_dim3A_52 : vector<2000x1xi32> to vector<2000x512xi32>
    %eq3A_54 = vector.broadcast %iota3A : vector<1x512xi32> to vector<2000x512xi32>
    %eq3A_55 = arith.cmpi eq, %eq3A_53, %eq3A_54 : vector<2000x512xi32>
    %convert_element_type3A_56 = arith.extui %eq3A_55 : vector<2000x512xi1> to vector<2000x512xi32>
    %convert_element_type3A_57 = arith.sitofp %convert_element_type3A_56 : vector<2000x512xi32> to vector<2000x512xf32>
    %reduce_sum3A_58 = arith.constant dense<0.000000e+00> : vector<512xf32>
    %reduce_sum3A_59 = vector.multi_reduction <add>, %convert_element_type3A_57, %reduce_sum3A_58 [0] : vector<2000x512xf32> to vector<512xf32>
    %add3A_60 = arith.addf %add3A_47, %reduce_sum3A_59 : vector<512xf32>
    %get3A_61 = arith.constant 5 : index
    %get3A_62 = arith.constant 0 : index
    %get3A_63 = vector.load %arg0[%get3A_61, %get3A_62] : memref<25x2000xi32, #tpu.memory_space<vmem>>, vector<1x2000xi32>
    %get3A_64 = vector.shape_cast %get3A_63 : vector<1x2000xi32> to vector<2000xi32>
    %broadcast_in_dim3A_65 = vector.shape_cast %get3A_64 : vector<2000xi32> to vector<2000x1xi32>
    %eq3A_66 = vector.broadcast %broadcast_in_dim3A_65 : vector<2000x1xi32> to vector<2000x512xi32>
    %eq3A_67 = vector.broadcast %iota3A : vector<1x512xi32> to vector<2000x512xi32>
    %eq3A_68 = arith.cmpi eq, %eq3A_66, %eq3A_67 : vector<2000x512xi32>
    %convert_element_type3A_69 = arith.extui %eq3A_68 : vector<2000x512xi1> to vector<2000x512xi32>
    %convert_element_type3A_70 = arith.sitofp %convert_element_type3A_69 : vector<2000x512xi32> to vector<2000x512xf32>
    %reduce_sum3A_71 = arith.constant dense<0.000000e+00> : vector<512xf32>
    %reduce_sum3A_72 = vector.multi_reduction <add>, %convert_element_type3A_70, %reduce_sum3A_71 [0] : vector<2000x512xf32> to vector<512xf32>
    %add3A_73 = arith.addf %add3A_60, %reduce_sum3A_72 : vector<512xf32>
    %get3A_74 = arith.constant 6 : index
    %get3A_75 = arith.constant 0 : index
    %get3A_76 = vector.load %arg0[%get3A_74, %get3A_75] : memref<25x2000xi32, #tpu.memory_space<vmem>>, vector<1x2000xi32>
    %get3A_77 = vector.shape_cast %get3A_76 : vector<1x2000xi32> to vector<2000xi32>
    %broadcast_in_dim3A_78 = vector.shape_cast %get3A_77 : vector<2000xi32> to vector<2000x1xi32>
    %eq3A_79 = vector.broadcast %broadcast_in_dim3A_78 : vector<2000x1xi32> to vector<2000x512xi32>
    %eq3A_80 = vector.broadcast %iota3A : vector<1x512xi32> to vector<2000x512xi32>
    %eq3A_81 = arith.cmpi eq, %eq3A_79, %eq3A_80 : vector<2000x512xi32>
    %convert_element_type3A_82 = arith.extui %eq3A_81 : vector<2000x512xi1> to vector<2000x512xi32>
    %convert_element_type3A_83 = arith.sitofp %convert_element_type3A_82 : vector<2000x512xi32> to vector<2000x512xf32>
    %reduce_sum3A_84 = arith.constant dense<0.000000e+00> : vector<512xf32>
    %reduce_sum3A_85 = vector.multi_reduction <add>, %convert_element_type3A_83, %reduce_sum3A_84 [0] : vector<2000x512xf32> to vector<512xf32>
    %add3A_86 = arith.addf %add3A_73, %reduce_sum3A_85 : vector<512xf32>
    %get3A_87 = arith.constant 7 : index
    %get3A_88 = arith.constant 0 : index
    %get3A_89 = vector.load %arg0[%get3A_87, %get3A_88] : memref<25x2000xi32, #tpu.memory_space<vmem>>, vector<1x2000xi32>
    %get3A_90 = vector.shape_cast %get3A_89 : vector<1x2000xi32> to vector<2000xi32>
    %broadcast_in_dim3A_91 = vector.shape_cast %get3A_90 : vector<2000xi32> to vector<2000x1xi32>
    %eq3A_92 = vector.broadcast %broadcast_in_dim3A_91 : vector<2000x1xi32> to vector<2000x512xi32>
    %eq3A_93 = vector.broadcast %iota3A : vector<1x512xi32> to vector<2000x512xi32>
    %eq3A_94 = arith.cmpi eq, %eq3A_92, %eq3A_93 : vector<2000x512xi32>
    %convert_element_type3A_95 = arith.extui %eq3A_94 : vector<2000x512xi1> to vector<2000x512xi32>
    %convert_element_type3A_96 = arith.sitofp %convert_element_type3A_95 : vector<2000x512xi32> to vector<2000x512xf32>
    %reduce_sum3A_97 = arith.constant dense<0.000000e+00> : vector<512xf32>
    %reduce_sum3A_98 = vector.multi_reduction <add>, %convert_element_type3A_96, %reduce_sum3A_97 [0] : vector<2000x512xf32> to vector<512xf32>
    %add3A_99 = arith.addf %add3A_86, %reduce_sum3A_98 : vector<512xf32>
    %get3A_100 = arith.constant 8 : index
    %get3A_101 = arith.constant 0 : index
    %get3A_102 = vector.load %arg0[%get3A_100, %get3A_101] : memref<25x2000xi32, #tpu.memory_space<vmem>>, vector<1x2000xi32>
    %get3A_103 = vector.shape_cast %get3A_102 : vector<1x2000xi32> to vector<2000xi32>
    %broadcast_in_dim3A_104 = vector.shape_cast %get3A_103 : vector<2000xi32> to vector<2000x1xi32>
    %eq3A_105 = vector.broadcast %broadcast_in_dim3A_104 : vector<2000x1xi32> to vector<2000x512xi32>
    %eq3A_106 = vector.broadcast %iota3A : vector<1x512xi32> to vector<2000x512xi32>
    %eq3A_107 = arith.cmpi eq, %eq3A_105, %eq3A_106 : vector<2000x512xi32>
    %convert_element_type3A_108 = arith.extui %eq3A_107 : vector<2000x512xi1> to vector<2000x512xi32>
    %convert_element_type3A_109 = arith.sitofp %convert_element_type3A_108 : vector<2000x512xi32> to vector<2000x512xf32>
    %reduce_sum3A_110 = arith.constant dense<0.000000e+00> : vector<512xf32>
    %reduce_sum3A_111 = vector.multi_reduction <add>, %convert_element_type3A_109, %reduce_sum3A_110 [0] : vector<2000x512xf32> to vector<512xf32>
    %add3A_112 = arith.addf %add3A_99, %reduce_sum3A_111 : vector<512xf32>
    %get3A_113 = arith.constant 9 : index
    %get3A_114 = arith.constant 0 : index
    %get3A_115 = vector.load %arg0[%get3A_113, %get3A_114] : memref<25x2000xi32, #tpu.memory_space<vmem>>, vector<1x2000xi32>
    %get3A_116 = vector.shape_cast %get3A_115 : vector<1x2000xi32> to vector<2000xi32>
    %broadcast_in_dim3A_117 = vector.shape_cast %get3A_116 : vector<2000xi32> to vector<2000x1xi32>
    %eq3A_118 = vector.broadcast %broadcast_in_dim3A_117 : vector<2000x1xi32> to vector<2000x512xi32>
    %eq3A_119 = vector.broadcast %iota3A : vector<1x512xi32> to vector<2000x512xi32>
    %eq3A_120 = arith.cmpi eq, %eq3A_118, %eq3A_119 : vector<2000x512xi32>
    %convert_element_type3A_121 = arith.extui %eq3A_120 : vector<2000x512xi1> to vector<2000x512xi32>
    %convert_element_type3A_122 = arith.sitofp %convert_element_type3A_121 : vector<2000x512xi32> to vector<2000x512xf32>
    %reduce_sum3A_123 = arith.constant dense<0.000000e+00> : vector<512xf32>
    %reduce_sum3A_124 = vector.multi_reduction <add>, %convert_element_type3A_122, %reduce_sum3A_123 [0] : vector<2000x512xf32> to vector<512xf32>
    %add3A_125 = arith.addf %add3A_112, %reduce_sum3A_124 : vector<512xf32>
    %get3A_126 = arith.constant 10 : index
    %get3A_127 = arith.constant 0 : index
    %get3A_128 = vector.load %arg0[%get3A_126, %get3A_127] : memref<25x2000xi32, #tpu.memory_space<vmem>>, vector<1x2000xi32>
    %get3A_129 = vector.shape_cast %get3A_128 : vector<1x2000xi32> to vector<2000xi32>
    %broadcast_in_dim3A_130 = vector.shape_cast %get3A_129 : vector<2000xi32> to vector<2000x1xi32>
    %eq3A_131 = vector.broadcast %broadcast_in_dim3A_130 : vector<2000x1xi32> to vector<2000x512xi32>
    %eq3A_132 = vector.broadcast %iota3A : vector<1x512xi32> to vector<2000x512xi32>
    %eq3A_133 = arith.cmpi eq, %eq3A_131, %eq3A_132 : vector<2000x512xi32>
    %convert_element_type3A_134 = arith.extui %eq3A_133 : vector<2000x512xi1> to vector<2000x512xi32>
    %convert_element_type3A_135 = arith.sitofp %convert_element_type3A_134 : vector<2000x512xi32> to vector<2000x512xf32>
    %reduce_sum3A_136 = arith.constant dense<0.000000e+00> : vector<512xf32>
    %reduce_sum3A_137 = vector.multi_reduction <add>, %convert_element_type3A_135, %reduce_sum3A_136 [0] : vector<2000x512xf32> to vector<512xf32>
    %add3A_138 = arith.addf %add3A_125, %reduce_sum3A_137 : vector<512xf32>
    %get3A_139 = arith.constant 11 : index
    %get3A_140 = arith.constant 0 : index
    %get3A_141 = vector.load %arg0[%get3A_139, %get3A_140] : memref<25x2000xi32, #tpu.memory_space<vmem>>, vector<1x2000xi32>
    %get3A_142 = vector.shape_cast %get3A_141 : vector<1x2000xi32> to vector<2000xi32>
    %broadcast_in_dim3A_143 = vector.shape_cast %get3A_142 : vector<2000xi32> to vector<2000x1xi32>
    %eq3A_144 = vector.broadcast %broadcast_in_dim3A_143 : vector<2000x1xi32> to vector<2000x512xi32>
    %eq3A_145 = vector.broadcast %iota3A : vector<1x512xi32> to vector<2000x512xi32>
    %eq3A_146 = arith.cmpi eq, %eq3A_144, %eq3A_145 : vector<2000x512xi32>
    %convert_element_type3A_147 = arith.extui %eq3A_146 : vector<2000x512xi1> to vector<2000x512xi32>
    %convert_element_type3A_148 = arith.sitofp %convert_element_type3A_147 : vector<2000x512xi32> to vector<2000x512xf32>
    %reduce_sum3A_149 = arith.constant dense<0.000000e+00> : vector<512xf32>
    %reduce_sum3A_150 = vector.multi_reduction <add>, %convert_element_type3A_148, %reduce_sum3A_149 [0] : vector<2000x512xf32> to vector<512xf32>
    %add3A_151 = arith.addf %add3A_138, %reduce_sum3A_150 : vector<512xf32>
    %get3A_152 = arith.constant 12 : index
    %get3A_153 = arith.constant 0 : index
    %get3A_154 = vector.load %arg0[%get3A_152, %get3A_153] : memref<25x2000xi32, #tpu.memory_space<vmem>>, vector<1x2000xi32>
    %get3A_155 = vector.shape_cast %get3A_154 : vector<1x2000xi32> to vector<2000xi32>
    %broadcast_in_dim3A_156 = vector.shape_cast %get3A_155 : vector<2000xi32> to vector<2000x1xi32>
    %eq3A_157 = vector.broadcast %broadcast_in_dim3A_156 : vector<2000x1xi32> to vector<2000x512xi32>
    %eq3A_158 = vector.broadcast %iota3A : vector<1x512xi32> to vector<2000x512xi32>
    %eq3A_159 = arith.cmpi eq, %eq3A_157, %eq3A_158 : vector<2000x512xi32>
    %convert_element_type3A_160 = arith.extui %eq3A_159 : vector<2000x512xi1> to vector<2000x512xi32>
    %convert_element_type3A_161 = arith.sitofp %convert_element_type3A_160 : vector<2000x512xi32> to vector<2000x512xf32>
    %reduce_sum3A_162 = arith.constant dense<0.000000e+00> : vector<512xf32>
    %reduce_sum3A_163 = vector.multi_reduction <add>, %convert_element_type3A_161, %reduce_sum3A_162 [0] : vector<2000x512xf32> to vector<512xf32>
    %add3A_164 = arith.addf %add3A_151, %reduce_sum3A_163 : vector<512xf32>
    %get3A_165 = arith.constant 13 : index
    %get3A_166 = arith.constant 0 : index
    %get3A_167 = vector.load %arg0[%get3A_165, %get3A_166] : memref<25x2000xi32, #tpu.memory_space<vmem>>, vector<1x2000xi32>
    %get3A_168 = vector.shape_cast %get3A_167 : vector<1x2000xi32> to vector<2000xi32>
    %broadcast_in_dim3A_169 = vector.shape_cast %get3A_168 : vector<2000xi32> to vector<2000x1xi32>
    %eq3A_170 = vector.broadcast %broadcast_in_dim3A_169 : vector<2000x1xi32> to vector<2000x512xi32>
    %eq3A_171 = vector.broadcast %iota3A : vector<1x512xi32> to vector<2000x512xi32>
    %eq3A_172 = arith.cmpi eq, %eq3A_170, %eq3A_171 : vector<2000x512xi32>
    %convert_element_type3A_173 = arith.extui %eq3A_172 : vector<2000x512xi1> to vector<2000x512xi32>
    %convert_element_type3A_174 = arith.sitofp %convert_element_type3A_173 : vector<2000x512xi32> to vector<2000x512xf32>
    %reduce_sum3A_175 = arith.constant dense<0.000000e+00> : vector<512xf32>
    %reduce_sum3A_176 = vector.multi_reduction <add>, %convert_element_type3A_174, %reduce_sum3A_175 [0] : vector<2000x512xf32> to vector<512xf32>
    %add3A_177 = arith.addf %add3A_164, %reduce_sum3A_176 : vector<512xf32>
    %get3A_178 = arith.constant 14 : index
    %get3A_179 = arith.constant 0 : index
    %get3A_180 = vector.load %arg0[%get3A_178, %get3A_179] : memref<25x2000xi32, #tpu.memory_space<vmem>>, vector<1x2000xi32>
    %get3A_181 = vector.shape_cast %get3A_180 : vector<1x2000xi32> to vector<2000xi32>
    %broadcast_in_dim3A_182 = vector.shape_cast %get3A_181 : vector<2000xi32> to vector<2000x1xi32>
    %eq3A_183 = vector.broadcast %broadcast_in_dim3A_182 : vector<2000x1xi32> to vector<2000x512xi32>
    %eq3A_184 = vector.broadcast %iota3A : vector<1x512xi32> to vector<2000x512xi32>
    %eq3A_185 = arith.cmpi eq, %eq3A_183, %eq3A_184 : vector<2000x512xi32>
    %convert_element_type3A_186 = arith.extui %eq3A_185 : vector<2000x512xi1> to vector<2000x512xi32>
    %convert_element_type3A_187 = arith.sitofp %convert_element_type3A_186 : vector<2000x512xi32> to vector<2000x512xf32>
    %reduce_sum3A_188 = arith.constant dense<0.000000e+00> : vector<512xf32>
    %reduce_sum3A_189 = vector.multi_reduction <add>, %convert_element_type3A_187, %reduce_sum3A_188 [0] : vector<2000x512xf32> to vector<512xf32>
    %add3A_190 = arith.addf %add3A_177, %reduce_sum3A_189 : vector<512xf32>
    %get3A_191 = arith.constant 15 : index
    %get3A_192 = arith.constant 0 : index
    %get3A_193 = vector.load %arg0[%get3A_191, %get3A_192] : memref<25x2000xi32, #tpu.memory_space<vmem>>, vector<1x2000xi32>
    %get3A_194 = vector.shape_cast %get3A_193 : vector<1x2000xi32> to vector<2000xi32>
    %broadcast_in_dim3A_195 = vector.shape_cast %get3A_194 : vector<2000xi32> to vector<2000x1xi32>
    %eq3A_196 = vector.broadcast %broadcast_in_dim3A_195 : vector<2000x1xi32> to vector<2000x512xi32>
    %eq3A_197 = vector.broadcast %iota3A : vector<1x512xi32> to vector<2000x512xi32>
    %eq3A_198 = arith.cmpi eq, %eq3A_196, %eq3A_197 : vector<2000x512xi32>
    %convert_element_type3A_199 = arith.extui %eq3A_198 : vector<2000x512xi1> to vector<2000x512xi32>
    %convert_element_type3A_200 = arith.sitofp %convert_element_type3A_199 : vector<2000x512xi32> to vector<2000x512xf32>
    %reduce_sum3A_201 = arith.constant dense<0.000000e+00> : vector<512xf32>
    %reduce_sum3A_202 = vector.multi_reduction <add>, %convert_element_type3A_200, %reduce_sum3A_201 [0] : vector<2000x512xf32> to vector<512xf32>
    %add3A_203 = arith.addf %add3A_190, %reduce_sum3A_202 : vector<512xf32>
    %get3A_204 = arith.constant 16 : index
    %get3A_205 = arith.constant 0 : index
    %get3A_206 = vector.load %arg0[%get3A_204, %get3A_205] : memref<25x2000xi32, #tpu.memory_space<vmem>>, vector<1x2000xi32>
    %get3A_207 = vector.shape_cast %get3A_206 : vector<1x2000xi32> to vector<2000xi32>
    %broadcast_in_dim3A_208 = vector.shape_cast %get3A_207 : vector<2000xi32> to vector<2000x1xi32>
    %eq3A_209 = vector.broadcast %broadcast_in_dim3A_208 : vector<2000x1xi32> to vector<2000x512xi32>
    %eq3A_210 = vector.broadcast %iota3A : vector<1x512xi32> to vector<2000x512xi32>
    %eq3A_211 = arith.cmpi eq, %eq3A_209, %eq3A_210 : vector<2000x512xi32>
    %convert_element_type3A_212 = arith.extui %eq3A_211 : vector<2000x512xi1> to vector<2000x512xi32>
    %convert_element_type3A_213 = arith.sitofp %convert_element_type3A_212 : vector<2000x512xi32> to vector<2000x512xf32>
    %reduce_sum3A_214 = arith.constant dense<0.000000e+00> : vector<512xf32>
    %reduce_sum3A_215 = vector.multi_reduction <add>, %convert_element_type3A_213, %reduce_sum3A_214 [0] : vector<2000x512xf32> to vector<512xf32>
    %add3A_216 = arith.addf %add3A_203, %reduce_sum3A_215 : vector<512xf32>
    %get3A_217 = arith.constant 17 : index
    %get3A_218 = arith.constant 0 : index
    %get3A_219 = vector.load %arg0[%get3A_217, %get3A_218] : memref<25x2000xi32, #tpu.memory_space<vmem>>, vector<1x2000xi32>
    %get3A_220 = vector.shape_cast %get3A_219 : vector<1x2000xi32> to vector<2000xi32>
    %broadcast_in_dim3A_221 = vector.shape_cast %get3A_220 : vector<2000xi32> to vector<2000x1xi32>
    %eq3A_222 = vector.broadcast %broadcast_in_dim3A_221 : vector<2000x1xi32> to vector<2000x512xi32>
    %eq3A_223 = vector.broadcast %iota3A : vector<1x512xi32> to vector<2000x512xi32>
    %eq3A_224 = arith.cmpi eq, %eq3A_222, %eq3A_223 : vector<2000x512xi32>
    %convert_element_type3A_225 = arith.extui %eq3A_224 : vector<2000x512xi1> to vector<2000x512xi32>
    %convert_element_type3A_226 = arith.sitofp %convert_element_type3A_225 : vector<2000x512xi32> to vector<2000x512xf32>
    %reduce_sum3A_227 = arith.constant dense<0.000000e+00> : vector<512xf32>
    %reduce_sum3A_228 = vector.multi_reduction <add>, %convert_element_type3A_226, %reduce_sum3A_227 [0] : vector<2000x512xf32> to vector<512xf32>
    %add3A_229 = arith.addf %add3A_216, %reduce_sum3A_228 : vector<512xf32>
    %get3A_230 = arith.constant 18 : index
    %get3A_231 = arith.constant 0 : index
    %get3A_232 = vector.load %arg0[%get3A_230, %get3A_231] : memref<25x2000xi32, #tpu.memory_space<vmem>>, vector<1x2000xi32>
    %get3A_233 = vector.shape_cast %get3A_232 : vector<1x2000xi32> to vector<2000xi32>
    %broadcast_in_dim3A_234 = vector.shape_cast %get3A_233 : vector<2000xi32> to vector<2000x1xi32>
    %eq3A_235 = vector.broadcast %broadcast_in_dim3A_234 : vector<2000x1xi32> to vector<2000x512xi32>
    %eq3A_236 = vector.broadcast %iota3A : vector<1x512xi32> to vector<2000x512xi32>
    %eq3A_237 = arith.cmpi eq, %eq3A_235, %eq3A_236 : vector<2000x512xi32>
    %convert_element_type3A_238 = arith.extui %eq3A_237 : vector<2000x512xi1> to vector<2000x512xi32>
    %convert_element_type3A_239 = arith.sitofp %convert_element_type3A_238 : vector<2000x512xi32> to vector<2000x512xf32>
    %reduce_sum3A_240 = arith.constant dense<0.000000e+00> : vector<512xf32>
    %reduce_sum3A_241 = vector.multi_reduction <add>, %convert_element_type3A_239, %reduce_sum3A_240 [0] : vector<2000x512xf32> to vector<512xf32>
    %add3A_242 = arith.addf %add3A_229, %reduce_sum3A_241 : vector<512xf32>
    %get3A_243 = arith.constant 19 : index
    %get3A_244 = arith.constant 0 : index
    %get3A_245 = vector.load %arg0[%get3A_243, %get3A_244] : memref<25x2000xi32, #tpu.memory_space<vmem>>, vector<1x2000xi32>
    %get3A_246 = vector.shape_cast %get3A_245 : vector<1x2000xi32> to vector<2000xi32>
    %broadcast_in_dim3A_247 = vector.shape_cast %get3A_246 : vector<2000xi32> to vector<2000x1xi32>
    %eq3A_248 = vector.broadcast %broadcast_in_dim3A_247 : vector<2000x1xi32> to vector<2000x512xi32>
    %eq3A_249 = vector.broadcast %iota3A : vector<1x512xi32> to vector<2000x512xi32>
    %eq3A_250 = arith.cmpi eq, %eq3A_248, %eq3A_249 : vector<2000x512xi32>
    %convert_element_type3A_251 = arith.extui %eq3A_250 : vector<2000x512xi1> to vector<2000x512xi32>
    %convert_element_type3A_252 = arith.sitofp %convert_element_type3A_251 : vector<2000x512xi32> to vector<2000x512xf32>
    %reduce_sum3A_253 = arith.constant dense<0.000000e+00> : vector<512xf32>
    %reduce_sum3A_254 = vector.multi_reduction <add>, %convert_element_type3A_252, %reduce_sum3A_253 [0] : vector<2000x512xf32> to vector<512xf32>
    %add3A_255 = arith.addf %add3A_242, %reduce_sum3A_254 : vector<512xf32>
    %get3A_256 = arith.constant 20 : index
    %get3A_257 = arith.constant 0 : index
    %get3A_258 = vector.load %arg0[%get3A_256, %get3A_257] : memref<25x2000xi32, #tpu.memory_space<vmem>>, vector<1x2000xi32>
    %get3A_259 = vector.shape_cast %get3A_258 : vector<1x2000xi32> to vector<2000xi32>
    %broadcast_in_dim3A_260 = vector.shape_cast %get3A_259 : vector<2000xi32> to vector<2000x1xi32>
    %eq3A_261 = vector.broadcast %broadcast_in_dim3A_260 : vector<2000x1xi32> to vector<2000x512xi32>
    %eq3A_262 = vector.broadcast %iota3A : vector<1x512xi32> to vector<2000x512xi32>
    %eq3A_263 = arith.cmpi eq, %eq3A_261, %eq3A_262 : vector<2000x512xi32>
    %convert_element_type3A_264 = arith.extui %eq3A_263 : vector<2000x512xi1> to vector<2000x512xi32>
    %convert_element_type3A_265 = arith.sitofp %convert_element_type3A_264 : vector<2000x512xi32> to vector<2000x512xf32>
    %reduce_sum3A_266 = arith.constant dense<0.000000e+00> : vector<512xf32>
    %reduce_sum3A_267 = vector.multi_reduction <add>, %convert_element_type3A_265, %reduce_sum3A_266 [0] : vector<2000x512xf32> to vector<512xf32>
    %add3A_268 = arith.addf %add3A_255, %reduce_sum3A_267 : vector<512xf32>
    %get3A_269 = arith.constant 21 : index
    %get3A_270 = arith.constant 0 : index
    %get3A_271 = vector.load %arg0[%get3A_269, %get3A_270] : memref<25x2000xi32, #tpu.memory_space<vmem>>, vector<1x2000xi32>
    %get3A_272 = vector.shape_cast %get3A_271 : vector<1x2000xi32> to vector<2000xi32>
    %broadcast_in_dim3A_273 = vector.shape_cast %get3A_272 : vector<2000xi32> to vector<2000x1xi32>
    %eq3A_274 = vector.broadcast %broadcast_in_dim3A_273 : vector<2000x1xi32> to vector<2000x512xi32>
    %eq3A_275 = vector.broadcast %iota3A : vector<1x512xi32> to vector<2000x512xi32>
    %eq3A_276 = arith.cmpi eq, %eq3A_274, %eq3A_275 : vector<2000x512xi32>
    %convert_element_type3A_277 = arith.extui %eq3A_276 : vector<2000x512xi1> to vector<2000x512xi32>
    %convert_element_type3A_278 = arith.sitofp %convert_element_type3A_277 : vector<2000x512xi32> to vector<2000x512xf32>
    %reduce_sum3A_279 = arith.constant dense<0.000000e+00> : vector<512xf32>
    %reduce_sum3A_280 = vector.multi_reduction <add>, %convert_element_type3A_278, %reduce_sum3A_279 [0] : vector<2000x512xf32> to vector<512xf32>
    %add3A_281 = arith.addf %add3A_268, %reduce_sum3A_280 : vector<512xf32>
    %get3A_282 = arith.constant 22 : index
    %get3A_283 = arith.constant 0 : index
    %get3A_284 = vector.load %arg0[%get3A_282, %get3A_283] : memref<25x2000xi32, #tpu.memory_space<vmem>>, vector<1x2000xi32>
    %get3A_285 = vector.shape_cast %get3A_284 : vector<1x2000xi32> to vector<2000xi32>
    %broadcast_in_dim3A_286 = vector.shape_cast %get3A_285 : vector<2000xi32> to vector<2000x1xi32>
    %eq3A_287 = vector.broadcast %broadcast_in_dim3A_286 : vector<2000x1xi32> to vector<2000x512xi32>
    %eq3A_288 = vector.broadcast %iota3A : vector<1x512xi32> to vector<2000x512xi32>
    %eq3A_289 = arith.cmpi eq, %eq3A_287, %eq3A_288 : vector<2000x512xi32>
    %convert_element_type3A_290 = arith.extui %eq3A_289 : vector<2000x512xi1> to vector<2000x512xi32>
    %convert_element_type3A_291 = arith.sitofp %convert_element_type3A_290 : vector<2000x512xi32> to vector<2000x512xf32>
    %reduce_sum3A_292 = arith.constant dense<0.000000e+00> : vector<512xf32>
    %reduce_sum3A_293 = vector.multi_reduction <add>, %convert_element_type3A_291, %reduce_sum3A_292 [0] : vector<2000x512xf32> to vector<512xf32>
    %add3A_294 = arith.addf %add3A_281, %reduce_sum3A_293 : vector<512xf32>
    %get3A_295 = arith.constant 23 : index
    %get3A_296 = arith.constant 0 : index
    %get3A_297 = vector.load %arg0[%get3A_295, %get3A_296] : memref<25x2000xi32, #tpu.memory_space<vmem>>, vector<1x2000xi32>
    %get3A_298 = vector.shape_cast %get3A_297 : vector<1x2000xi32> to vector<2000xi32>
    %broadcast_in_dim3A_299 = vector.shape_cast %get3A_298 : vector<2000xi32> to vector<2000x1xi32>
    %eq3A_300 = vector.broadcast %broadcast_in_dim3A_299 : vector<2000x1xi32> to vector<2000x512xi32>
    %eq3A_301 = vector.broadcast %iota3A : vector<1x512xi32> to vector<2000x512xi32>
    %eq3A_302 = arith.cmpi eq, %eq3A_300, %eq3A_301 : vector<2000x512xi32>
    %convert_element_type3A_303 = arith.extui %eq3A_302 : vector<2000x512xi1> to vector<2000x512xi32>
    %convert_element_type3A_304 = arith.sitofp %convert_element_type3A_303 : vector<2000x512xi32> to vector<2000x512xf32>
    %reduce_sum3A_305 = arith.constant dense<0.000000e+00> : vector<512xf32>
    %reduce_sum3A_306 = vector.multi_reduction <add>, %convert_element_type3A_304, %reduce_sum3A_305 [0] : vector<2000x512xf32> to vector<512xf32>
    %add3A_307 = arith.addf %add3A_294, %reduce_sum3A_306 : vector<512xf32>
    %get3A_308 = arith.constant 24 : index
    %get3A_309 = arith.constant 0 : index
    %get3A_310 = vector.load %arg0[%get3A_308, %get3A_309] : memref<25x2000xi32, #tpu.memory_space<vmem>>, vector<1x2000xi32>
    %get3A_311 = vector.shape_cast %get3A_310 : vector<1x2000xi32> to vector<2000xi32>
    %broadcast_in_dim3A_312 = vector.shape_cast %get3A_311 : vector<2000xi32> to vector<2000x1xi32>
    %eq3A_313 = vector.broadcast %broadcast_in_dim3A_312 : vector<2000x1xi32> to vector<2000x512xi32>
    %eq3A_314 = vector.broadcast %iota3A : vector<1x512xi32> to vector<2000x512xi32>
    %eq3A_315 = arith.cmpi eq, %eq3A_313, %eq3A_314 : vector<2000x512xi32>
    %convert_element_type3A_316 = arith.extui %eq3A_315 : vector<2000x512xi1> to vector<2000x512xi32>
    %convert_element_type3A_317 = arith.sitofp %convert_element_type3A_316 : vector<2000x512xi32> to vector<2000x512xf32>
    %reduce_sum3A_318 = arith.constant dense<0.000000e+00> : vector<512xf32>
    %reduce_sum3A_319 = vector.multi_reduction <add>, %convert_element_type3A_317, %reduce_sum3A_318 [0] : vector<2000x512xf32> to vector<512xf32>
    %add3A_320 = arith.addf %add3A_307, %reduce_sum3A_319 : vector<512xf32>
    %broadcast_in_dim3A_321 = vector.shape_cast %add3A_320 : vector<512xf32> to vector<1x512xf32>
    %swap3A = arith.constant 0 : index
    %swap3A_322 = arith.constant 0 : index
    %swap3A_323 = vector.load %arg1[%swap3A, %swap3A_322] : memref<1x512xf32, #tpu.memory_space<vmem>>, vector<1x512xf32>
    tpu.vector_store %arg1[%swap3A, %swap3A_322], %broadcast_in_dim3A_321 {strides = array<i32>} : memref<1x512xf32, #tpu.memory_space<vmem>>, vector<1x512xf32>,
    return
  }
}

module attributes {stable_mosaic.version = 14 : i64} {
  func.func @_head_body(%arg0: memref<2x16x512x128xf32, #tpu.memory_space<vmem>>, %arg1: memref<1x512xf32, #tpu.memory_space<vmem>>, %arg2: memref<256x128xf32, #tpu.memory_space<vmem>>, %arg3: memref<1x128xf32, #tpu.memory_space<vmem>>, %arg4: memref<512x128xf32, #tpu.memory_space<vmem>>) attributes {dimension_semantics = [], scalar_prefetch = 0 : i64, scratch_operands = 0 : i64, tpu.core_type = #tpu.core_type<tc>} {
    %get3A = arith.constant 0 : index
    %get3A_0 = arith.constant 0 : index
    %get3A_1 = arith.constant 0 : index
    %get3A_2 = arith.constant 0 : index
    %get3A_3 = vector.load %arg0[%get3A, %get3A_0, %get3A_1, %get3A_2] : memref<2x16x512x128xf32, #tpu.memory_space<vmem>>, vector<1x16x512x128xf32>
    %get3A_4 = vector.shape_cast %get3A_3 : vector<1x16x512x128xf32> to vector<16x512x128xf32>
    %reduce_sum3A = arith.constant dense<0.000000e+00> : vector<512x128xf32>
    %reduce_sum3A_5 = vector.multi_reduction <add>, %get3A_4, %reduce_sum3A [0] : vector<16x512x128xf32> to vector<512x128xf32>
    %get3A_6 = arith.constant 1 : index
    %get3A_7 = arith.constant 0 : index
    %get3A_8 = arith.constant 0 : index
    %get3A_9 = arith.constant 0 : index
    %get3A_10 = vector.load %arg0[%get3A_6, %get3A_7, %get3A_8, %get3A_9] : memref<2x16x512x128xf32, #tpu.memory_space<vmem>>, vector<1x16x512x128xf32>
    %get3A_11 = vector.shape_cast %get3A_10 : vector<1x16x512x128xf32> to vector<16x512x128xf32>
    %reduce_sum3A_12 = arith.constant dense<0.000000e+00> : vector<512x128xf32>
    %reduce_sum3A_13 = vector.multi_reduction <add>, %get3A_11, %reduce_sum3A_12 [0] : vector<16x512x128xf32> to vector<512x128xf32>
    %concatenate3A = tpu.concatenate %reduce_sum3A_5, %reduce_sum3A_13 in 1 : vector<512x128xf32>, vector<512x128xf32> -> vector<512x256xf32>
    %get3A_14 = arith.constant 0 : index
    %get3A_15 = arith.constant 0 : index
    %get3A_16 = vector.load %arg1[%get3A_14, %get3A_15] : memref<1x512xf32, #tpu.memory_space<vmem>>, vector<1x512xf32>
    %get3A_17 = vector.shape_cast %get3A_16 : vector<1x512xf32> to vector<512xf32>
    %max3A = arith.constant 1.000000e+00 : f32
    %max3A_18 = vector.broadcast %max3A : f32 to vector<512xf32>
    %max3A_19 = arith.maximumf %get3A_17, %max3A_18 : vector<512xf32>
    %broadcast_in_dim3A = vector.shape_cast %max3A_19 : vector<512xf32> to vector<512x1xf32>
    %div3A = vector.broadcast %broadcast_in_dim3A : vector<512x1xf32> to vector<512x256xf32>
    %div3A_20 = arith.divf %concatenate3A, %div3A : vector<512x256xf32>
    %get3A_21 = arith.constant 0 : index
    %get3A_22 = arith.constant 0 : index
    %get3A_23 = vector.load %arg2[%get3A_21, %get3A_22] : memref<256x128xf32, #tpu.memory_space<vmem>>, vector<256x128xf32>
    %dot_general3A = arith.constant dense<0.000000e+00> : vector<512x128xf32>
    %dot_general3A_24 = tpu.matmul %div3A_20, %get3A_23, %dot_general3A {dimension_numbers = #tpu.dot_dimension_numbers<[1], [0], [0], [1], [0, 0, 1, 1], [], []>, transpose_lhs_hint = false} : vector<512x256xf32>, vector<256x128xf32>, vector<512x128xf32> -> vector<512x128xf32>
    %get3A_25 = arith.constant 0 : index
    %get3A_26 = arith.constant 0 : index
    %get3A_27 = vector.load %arg3[%get3A_25, %get3A_26] : memref<1x128xf32, #tpu.memory_space<vmem>>, vector<1x128xf32>
    %add3A = vector.broadcast %get3A_27 : vector<1x128xf32> to vector<512x128xf32>
    %add3A_28 = arith.addf %dot_general3A_24, %add3A : vector<512x128xf32>
    %swap3A = arith.constant 0 : index
    %swap3A_29 = arith.constant 0 : index
    %swap3A_30 = vector.load %arg4[%swap3A, %swap3A_29] : memref<512x128xf32, #tpu.memory_space<vmem>>, vector<512x128xf32>
    tpu.vector_store %arg4[%swap3A, %swap3A_29], %add3A_28 {strides = array<i32>} : memref<512x128xf32, #tpu.memory_space<vmem>>, vector<512x128xf32>,
    return
  }
}

</mosaic_0001>

<sc_bundles>
// kernel: kernel.5.cloned.1.call-start
scs
__scs_entry_jumppad:
0x0: {  	(pc) =	sbr.rel $0x88, $3  }
0x1: {  	(tag) =	ssettag $0x0;
	lr =	simm.s32 $0x1  }
0x2: {  	[smem:$0x3F9C] =	sst lr;
	_ =	strace $0xD0000000  }
0x3: {  	_ = 	snop  }
0x4: {  	_ = 	snop  }
0x5: {  	_ = 	snop  }
0x6: {  	_ = 	snop  }
0x7: {  	_ = 	snop  }
__scs_overlays_trampoline_lowered:
0x8: {  	[smem:$0x3FAB] =	sst s0  }
0x9: {  	[smem:$0x3FAC] =	sst s1  }
0xa: {  	[smem:$0x3FAD] =	sst s2  }
0xb: {  	[smem:$0x3FAE] =	sst s3  }
0xc: {  	[smem:$0x3FAF] =	sst s4  }
0xd: {  	[smem:$0x3FB0] =	sst s5  }
0xe: {  	[smem:$0x3FB1] =	sst s6  }
0xf: {  	[smem:$0x3FB2] =	sst s7  }
0x10: {  	[smem:$0x3FB3] =	sst s8  }
0x11: {  	[smem:$0x3FB4] =	sst s9;
	s0 =	simm.s32 @!p0 $0x0  }
0x12: {  	s1 =	sld [smem:$0x3F9A];
	s0 =	simm.s32 @p0 $0x1  }
0x13: {  	[smem:$0x3FB5] =	sst s0;
	s0 =	simm.s32 @!p1 $0x0  }
0x14: {  	s2 =	sld [smem:$0x3F99];
	s0 =	simm.s32 @p1 $0x1  }
0x15: {  	[smem:$0x3FB6] =	sst s0;
	s0 =	simm.s32 @!p2 $0x0  }
0x16: {  	s3 =	sld [smem:$0x3FDB];
	s0 =	simm.s32 @p2 $0x1  }
0x17: {  	s4 =	simm.s32 $0x1BF5;
	[smem:$0x3FB8] =	sst s0  }
0x18: {  	s0 =	sld [smem:$0x3F9B];
	_ =	swait.ge [sflag:s4], $0x0  }
0x19: {  	s7 =	sld [smem:$0x3F9C]  }
0x1a: {  	s8 =	sadd.s32 $0xFFFFE003, lr  }
0x1b: {  	s9 =	sadd.s32 $0xFFFFFEF7, lr;
	s5 =	simm.s32 $0xFFFFFFFF;
	p2 =	slt.u32 s8, $0xFFFFF086  }
0x1c: {  	p1 =	slt.u32 s9, $0xF7A;
	s5 =	simm.s32 @!p2 $0x0  }
0x1d: {  	s5 =	simm.s32 @p1 $0x1;
	p0 =	seq.s32 s7, s2  }
0x1e: {  	s7 =	smul.u32 @!p0 $0xF7A, s2;
	p2 =	seq.s32 @!p0 s5, $0x0  }
0x1f: {  	s9 =	smul.u32 $0xF7A, s1;
	s8 =	simm.s32 @!p0 $0x1BF5;
	p2 =	por !p2, p0  }
0x20: {  	[sflag:s8] =	ssyncset.s32 @!p0 $0xFFFFF086;
	s6 =	sadd.s32 @!p0 s3, s7;
	s7 =	simm.s32 @!p0 $0x108  }
0x21: {  	s3 =	sadd.s32 s3, s9;
	s6 =	sadd.s32 @!p0 $0x88, s6;
	s7 =	simm.s32 @p2 $0x1082  }
0x22: {  	[simem:s7], [sflag:s8] =	dma.local @!p0 [hbm:s6], $0xF7A  }
0x23: {  	s9 =	sor.u32 $0xD0000000, s2;
	s6 =	simm.s32 $0x108;
	_ =	swait.ge @!p0 [sflag:s8], $0x0  }
0x24: {  	s3 =	sadd.s32 $0x88, s3;
	s6 =	simm.s32 @!p1 $0x1082;
	[sflag:s4] =	ssyncset.s32 $0xFFFFF086  }
0x25: {  	[simem:s6], [sflag:s4] =	dma.local [hbm:s3], $0xF7A  }
0x26: {  	[smem:$0x3F9C] =	sst s1;
	(tag) =	ssettag s2;
	_ =	strace s9  }
0x27: {  	s1 =	sld [smem:$0x3FAC]  }
0x28: {  	s2 =	sld [smem:$0x3FAD]  }
0x29: {  	s4 =	sld [smem:$0x3FAF]  }
0x2a: {  	p0 =	seq.s32 s5, $0x0;
	s5 =	sld [smem:$0x3FB0]  }
0x2b: {  	s6 =	sld [smem:$0x3FB1]  }
0x2c: {  	s7 =	sld [smem:$0x3FB2]  }
0x2d: {  	s3 =	simm.s32 $0x108;
	s8 =	sld [smem:$0x3FB3]  }
0x2e: {  	s3 =	simm.s32 @!p0 $0x1082;
	s9 =	sld [smem:$0x3FB4]  }
0x2f: {  	lr =	sadd.s32 s0, s3;
	s0 =	sld [smem:$0x3FAB]  }
0x30: {  	s3 =	sld [smem:$0x3FAE]  }
0x31: {  	[smem:$0x3FB7] =	sst s10  }
0x32: {  	s10 =	sld [smem:$0x3FB5];
	_ =	sdelay $0x3  }
0x33: {  	p0 =	seq.s32 s10, $0x1;
	s10 =	sld [smem:$0x3FB7];
	_ =	sdelay $0x3  }
0x34: {  	[smem:$0x3FB7] =	sst s10  }
0x35: {  	s10 =	sld [smem:$0x3FB6];
	_ =	sdelay $0x3  }
0x36: {  	p1 =	seq.s32 s10, $0x1;
	s10 =	sld [smem:$0x3FB7];
	_ =	sdelay $0x3  }
0x37: {  	[smem:$0x3FB7] =	sst s10  }
0x38: {  	s10 =	sld [smem:$0x3FB8]  }
0x39: {  	_ = 	snop;
	(pc) =	sbr.ind lr, $3  }
0x3a: {  	_ = 	snop  }
0x3b: {  	_ = 	snop  }
0x3c: {  	p2 =	seq.s32 s10, $0x1;
	s10 =	sld [smem:$0x3FB7]  }
0x3d: {  	_ =	shalt  }
0x3e: {  	_ =	shalt  }
0x3f: {  	_ =	shalt  }
0x40: {  	_ =	shalt  }
0x41: {  	_ =	shalt  }
0x42: {  	_ =	shalt  }
0x43: {  	_ =	shalt  }
0x44: {  	_ =	shalt  }
0x45: {  	_ =	shalt  }
0x46: {  	_ =	shalt  }
0x47: {  	_ =	shalt  }
0x48: {  	_ =	shalt  }
0x49: {  	_ =	shalt  }
0x4a: {  	_ =	shalt  }
0x4b: {  	_ =	shalt  }
0x4c: {  	_ =	shalt  }
0x4d: {  	_ =	shalt  }
0x4e: {  	_ =	shalt  }
0x4f: {  	_ =	shalt  }
0x50: {  	_ =	shalt  }
0x51: {  	_ =	shalt  }
0x52: {  	_ =	shalt  }
0x53: {  	_ =	shalt  }
0x54: {  	_ =	shalt  }
0x55: {  	_ =	shalt  }
0x56: {  	_ =	shalt  }
0x57: {  	_ =	shalt  }
0x58: {  	_ =	shalt  }
0x59: {  	_ =	shalt  }
0x5a: {  	_ =	shalt  }
0x5b: {  	_ =	shalt  }
0x5c: {  	_ =	shalt  }
0x5d: {  	_ =	shalt  }
0x5e: {  	_ =	shalt  }
0x5f: {  	_ =	shalt  }
0x60: {  	_ =	shalt  }
0x61: {  	_ =	shalt  }
0x62: {  	_ =	shalt  }
0x63: {  	_ =	shalt  }
0x64: {  	_ =	shalt  }
0x65: {  	_ =	shalt  }
0x66: {  	_ =	shalt  }
0x67: {  	_ =	shalt  }
0x68: {  	_ =	shalt  }
0x69: {  	_ =	shalt  }
0x6a: {  	_ =	shalt  }
0x6b: {  	_ =	shalt  }
0x6c: {  	_ =	shalt  }
0x6d: {  	_ =	shalt  }
0x6e: {  	_ =	shalt  }
0x6f: {  	_ =	shalt  }
0x70: {  	_ =	shalt  }
0x71: {  	_ =	shalt  }
0x72: {  	_ =	shalt  }
0x73: {  	_ =	shalt  }
0x74: {  	_ =	shalt  }
0x75: {  	_ =	shalt  }
0x76: {  	_ =	shalt  }
0x77: {  	_ =	shalt  }
0x78: {  	_ =	shalt  }
0x79: {  	_ =	shalt  }
0x7a: {  	_ =	shalt  }
0x7b: {  	_ =	shalt  }
0x7c: {  	_ =	shalt  }
0x7d: {  	_ =	shalt  }
0x7e: {  	_ =	shalt  }
0x7f: {  	_ =	shalt  }
0x80: {  	_ =	shalt  }
0x81: {  	_ =	shalt  }
0x82: {  	_ =	shalt  }
0x83: {  	_ =	shalt  }
0x84: {  	_ =	shalt  }
0x85: {  	_ =	shalt  }
0x86: {  	_ =	shalt  }
0x87: {  	_ =	shalt  }
.Lfunc_end0:
.L_simem_size_0:
called_computation_lowered:
.L_overlay_start_0:
0x88: {  	s2 =	sld [smem:$0x3FD9]  }
0x89: {  	s3 =	sld [smem:$0x3FFE];
	_ =	sdelay $0x1  }
0x8a: {  	s1 =	srdreg.scid  }
0x8b: {  	s0 =	sand.u32 $0x1, s1  }
0x8c: {  	s17 =	sshll.u32 s0, $0xA;
	s2 =	sadd.s32 s3, s2  }
0x8d: {  	s2 =	sadd.s32 s2, s17  }
0x8e: {  	[smem:$0x3FC3] =	sst s2  }
0x8f: {  	_ = 	snop  }
0x90: {  	s2 =	sld [smem:$0x3FC9];
	(tm) =	ssettm $0x1  }
0x91: {  	s18 =	sld [smem:$0x3FFB];
	_ =	sdelay $0x3  }
0x92: {  	_ =	strace s18  }
0x93: {  	s3 =	sld [smem:$0x3FFC];
	_ =	sdelay $0x3  }
0x94: {  	_ =	strace s3  }
0x95: {  	s3 =	sld [smem:$0x3FFD];
	_ =	sdelay $0x3  }
0x96: {  	_ =	strace s3  }
0x97: {  	_ =	strace $0x8FFFFFFF  }
0x98: {  	s19 =	sld [smem:$0x3FDB];
	_ =	sdelay $0x1  }
0x99: {  	s4 =	simm.s32 $_scs_section_size  }
0x9a: {  	s5 =	simm.s32 $_size__tile_overlayer_lowered;
	s6 =	simm.s32 $_tile_overlayer_lowered  }
0x9b: {  	s22 =	simm.s32 $0x1BFF;
	s21 =	sshll.u32 s6, $0x1;
	s3 =	sadd.s32 s4, s19  }
0x9c: {  	s7 =	simm.s32 $0x0;
	s20 =	sshll.u32 s5, $0x1;
	s5 =	sadd.s32 s21, s3  }
0x9d: {  	[timem:s7], [sflag:s22] =	dma.local [hbm:s5], s20  }
0x9e: {  	_ =	swait.ge [sflag:s22], s20  }
0x9f: {  	s4 =	ssub.s32 $0x0, s20;
	[sflag:s22] =	ssyncset.done $0x0  }
0xa0: {  	[sflag:s22] =	ssyncadd.s32 s4;
	_ =	sdelay $0x1  }
0xa1: {  	s23 =	simm.s32 $0x1B8B  }
0xa2: {  	_ =	swait.ge [sflag:s23], $0x1  }
0xa3: {  	[sflag:s23] =	ssyncset.done $0x0  }
0xa4: {  	s25 =	simm.s32 $0x1B8E;
	s24 =	sld [smem:$0x3FFE];
	[sflag:s23] =	ssyncadd.s32 $0xFFFFFFFF  }
0xa5: {  	s26 =	simm.s32 $execute0_lowered;
	[smem:$0x3FD2] =	sst s25  }
0xa6: {  	s5 =	sshll.u32 s26, $0x1;
	_ =	strace $0x80000046;
	[dreg:$0x1] =	wrdreg $0xFFFFFFFF  }
0xa7: {  	s28 =	simm.s32 $_size_execute0_lowered;
	s3 =	sadd.s32 s3, s5;
	[dreg:$0x0] =	wrdreg $0x0  }
0xa8: {  	s5 =	sshll.u32 s28, $0x1;
	[dreg:$0x2] =	wrdreg s3  }
0xa9: {  	[dreg:$0x3] =	wrdreg s5  }
0xaa: {  	[dreg:$0x4] =	wrdreg $0xC0  }
0xab: {  	_ =	task [dreg:s7], $0x5FFFF  }
0xac: {  	[dreg:$0x1] =	wrdreg $0xFFFFFFFF  }
0xad: {  	[dreg:$0x0] =	wrdreg $0x60  }
0xae: {  	[dreg:$0x2] =	wrdreg s2  }
0xaf: {  	[dreg:$0x3] =	wrdreg s24  }
0xb0: {  	[dreg:$0x4] =	wrdreg $0x9  }
0xb1: {  	_ =	task.clear_ibuf [dreg:s7], $0x5FFFF;
	_ =	strace $0x90000046  }
0xb2: {  	s29 =	simm.s32 $0x9;
	_ =	strace $0x80000048  }
0xb3: {  	_ =	swait.ge [sflag:s29], $0x1  }
0xb4: {  	[sflag:s29] =	ssyncadd.s32 $0xFFFFFFFF  }
0xb5: {  	_ =	strace $0x90000048  }
0xb6: {  	_ =	sfence  }
0xb7: {  	s30 =	sld [smem:$0x0];
	_ =	sdelay $0x2  }
0xb8: {  	s31 =	sshll.u32 s1, $0xD;
	s1 =	sshrl.u32 s1, $0x2  }
0xb9: {  	s3 =	sand.u32 $0x4000, s31;
	s1 =	sadd.s32 s1, s30  }
0xba: {  	s0 =	sor.u32 s3, s0;
	s1 =	sshll.u32 s1, $0x11  }
0xbb: {  	s0 =	sor.u32 s1, s0  }
0xbc: {  	s0 =	sadd.s32 $0x8F2B, s0  }
0xbd: {  	[sflag:s0] =	ssyncadd.remote.s32 $0x1  }
0xbe: {  	_ =	sfence.sel $0xFFFF  }
0xbf: {  	[dreg:$0x0] =	wrdreg $0xFFFFFFFF;
	(pc) =	sbr.abs _section_cstart, $3  }
0xc0: {  	[dreg:$0x1] =	wrdreg $0xFFFFFFFF  }
0xc1: {  	_ =	task.clear_ibuf [dreg:s7], $0x2FFFF;
	_ =	strace $0x9FFFFFFF  }
0xc2: {  	(tm) =	ssettm $0x7FFFFFFF  }
0xc3: {  	_ =	shalt  }
tec
execute0_lowered:
.L_overlay_start_1:
0x0: {  	(tag) =	ssettag $0x1  }
0x1: {  	s9 =	rddreg [dreg:$0x0]  }
0x2: {  	s3 =	rddreg [dreg:$0x1]  }
0x3: {  	s0 =	rddreg [dreg:$0x2];
	s2 =	simm.s32 $0x0;
	s4 =	srdreg.scid  }
0x4: {  	s1 =	stileid.u32;
	s13 =	simm.s32 $0x1;
	s14 =	simm.s32 $0x2  }
0x5: {  	s15 =	simm.s32 $0x3;
	s17 =	simm.s32 $0x4;
	s18 =	simm.s32 $0x0  }
0x6: {  	[smem:$0x7FF] =	sst s2;
	s5 =	sand.u32 $0x1, s4;
	s10 =	sshll.u32 s1, $0x9  }
0x7: {  	s26 =	sshll.u32 s1, $0xD;
	s16 =	sor.u32 $0xC30, s1;
	p1 =	sgt.u32 s1, $0x4  }
0x8: {  	_ =	strace $0x80000047;
	s11 =	sshll.u32 s5, $0x7;
	s6 =	ssub.s32 $0x2, s5  }
0x9: {  	s8 =	sadd.s32 s26, s3;
	s30 =	sshll.u32 s5, $0x11;
	s12 =	sshll.u32 s16, $0x9  }
0xa: {  	p0 =	sgt.u32 s16, $0xC34;
	s16 =	simm.s32 $0x1800;
	s7 =	sor.u32 s11, s10  }
0xb: {  	s28 =	sshrl.u32 s6, $0x1;
	s31 =	sadd.s32 s9, s11;
	s3 =	sadd.s32 s9, s7  }
0xc: {  	v0 =	vimm.f32 $0.0e+00;
	v8 =	vlaneseq.u32;
	s29 =	ssub.s32 s6, s28;
	s6 =	sadd.s32 s30, s8;
	s8 =	sadd.s32 s12, s31  }
0xd: {  	vm0 =	vmxor vm0, vm0;
	v1 =	vor.u32 $0xFFFFFF80, v8;
	v2 =	vor.u32 $0xFFFFFF90, v8;
	s9 =	sadd.s32 s10, s9;
	s10 =	simm.s32 $0x400;
	s12 =	simm.s32 $0x1000  }
0xe: {  	v3 =	vor.u32 $0xFFFFFFA0, v8;
	v4 =	vor.u32 $0xFFFFFFB0, v8;
	v5 =	vor.u32 $0xFFFFFFC0, v8;
	s4 =	sadd.s32 $0x2000, s3;
	s5 =	sadd.s32 $0x4000, s3;
	s6 =	sadd.s32 $0xE00, s6  }
0xf: {  	v6 =	vor.u32 $0xFFFFFFD0, v8;
	v7 =	vor.u32 $0xFFFFFFE0, v8;
	v8 =	vor.u32 $0xFFFFFFF0, v8;
	s7 =	smax.u32 s29, $0x1;
	s9 =	sadd.s32 s11, s9;
	s11 =	simm.s32 $0x800  }
.LBB2_1:
0x10: {  	s19 =	simm.s32 $0x0;
	s20 =	simm.s32 $0x200  }
.LBB2_2:
0x11: {  	p2 =	sne.s32 s20, $0x3FE00;
	[tilespmem:s19+$0x1870] =	vst v0  }
0x12: {  	[tilespmem:s19+$0x1800] =	vst v0  }
0x13: {  	[tilespmem:s19+$0x1810] =	vst v0  }
.Ltmp0:
0x14: {  	[tilespmem:s19+$0x1820] =	vst v0;
	(pc) =	sbr.rel @p2 .LBB2_2-.Ltmp0, $4  }
0x15: {  	[tilespmem:s19+$0x1830] =	vst v0  }
0x16: {  	[tilespmem:s19+$0x1840] =	vst v0  }
0x17: {  	[tilespmem:s19+$0x1850] =	vst v0  }
0x18: {  	[tilespmem:s19+$0x1860] =	vst v0;
	s19 =	sshra.s32 s20, $0x2;
	s20 =	sadd.s32 $0x200, s20  }
0x19: {  	[tilespmem:s19+$0x1870] =	vst v0  }
0x1a: {  	[tilespmem:s19+$0x1800] =	vst v0  }
0x1b: {  	[tilespmem:s19+$0x1810] =	vst v0  }
0x1c: {  	[tilespmem:s19+$0x1820] =	vst v0  }
0x1d: {  	[tilespmem:s19+$0x1830] =	vst v0  }
0x1e: {  	[tilespmem:s19+$0x1840] =	vst v0  }
0x1f: {  	[tilespmem:s19+$0x1850] =	vst v0  }
0x20: {  	[tilespmem:s19+$0x1860] =	vst v0  }
0x21: {  	[tilespmem:s2], [sflag:$0x1] =	stream.strided.gather [hbm4b:s3+s10], $0x800, s11, s10, $0x38;
	[tilespmem:$0x11800] =	vst v63  }
0x22: {  	_ = 	snop  }
0x23: {  	[tilespmem:s11], [sflag:$0x2] =	stream.strided.gather [hbm4b:s4+s10], $0x800, s11, s10, $0x38;
	[tilespmem:$0x11800] =	vst v63  }
0x24: {  	_ = 	snop  }
0x25: {  	[tilespmem:s12], [sflag:$0x3] =	stream.strided.gather [hbm4b:s5+s10], $0x800, s11, s10, $0x38;
	[tilespmem:$0x11800] =	vst v63  }
0x26: {  	_ =	swait.ge [sflag:s13], $0x800  }
0x27: {  	s20 =	sadd.s32 $0xFFE80000, s9;
	[sflag:s13] =	ssyncset.done $0x0  }
0x28: {  	s30 =	sadd.s32 $0x186000, s20;
	[sflag:s13] =	ssyncadd.s32 $0xFFFFF800  }
0x29: {  	[tilespmem:s2], [sflag:$0x1] =	stream.strided.gather [hbm4b:s30+s10], $0x800, s11, s10, $0x38;
	[tilespmem:$0x11800] =	vst v63  }
0x2a: {  	_ =	swait.ge [sflag:s14], $0x800  }
0x2b: {  	[sflag:s14] =	ssyncset.done $0x0  }
0x2c: {  	s31 =	sadd.s32 $0x188000, s20;
	[sflag:s14] =	ssyncadd.s32 $0xFFFFF800  }
0x2d: {  	[tilespmem:s11], [sflag:$0x2] =	stream.strided.gather [hbm4b:s31+s10], $0x800, s11, s10, $0x38;
	[tilespmem:$0x11800] =	vst v63  }
0x2e: {  	_ =	swait.ge [sflag:s15], $0x800  }
0x2f: {  	[sflag:s15] =	ssyncset.done $0x0  }
0x30: {  	s19 =	simm.s32 $0xFFE86000;
	s20 =	sadd.s32 $0x18A000, s20;
	[sflag:s15] =	ssyncadd.s32 $0xFFFFF800  }
.LBB2_4:
0x31: {  	[tilespmem:s12], [sflag:$0x3] =	stream.strided.gather [hbm4b:s20+s10], $0x800, s11, s10, $0x38;
	[tilespmem:$0x11800] =	vst v63  }
0x32: {  	s20 =	smov.u32 s19  }
0x33: {  	p2 =	sne.s32 s19, $0xFFFFA000;
	s19 =	sadd.s32 $0x6000, s19;
	_ =	swait.ge [sflag:s13], $0x800  }
0x34: {  	s20 =	sadd.s32 s20, s9;
	[sflag:s13] =	ssyncset.done $0x0  }
0x35: {  	s21 =	sadd.s32 $0x186000, s20;
	[sflag:s13] =	ssyncadd.s32 $0xFFFFF800  }
0x36: {  	[tilespmem:s2], [sflag:$0x1] =	stream.strided.gather [hbm4b:s21+s10], $0x800, s11, s10, $0x38;
	[tilespmem:$0x11800] =	vst v63  }
0x37: {  	_ =	swait.ge [sflag:s14], $0x800  }
0x38: {  	[sflag:s14] =	ssyncset.done $0x0  }
.Ltmp1:
0x39: {  	s21 =	sadd.s32 $0x188000, s20;
	[sflag:s14] =	ssyncadd.s32 $0xFFFFF800;
	(pc) =	sbr.rel @p2 .LBB2_4-.Ltmp1, $4  }
0x3a: {  	[tilespmem:s11], [sflag:$0x2] =	stream.strided.gather [hbm4b:s21+s10], $0x800, s11, s10, $0x38;
	[tilespmem:$0x11800] =	vst v63  }
0x3b: {  	_ =	swait.ge [sflag:s15], $0x800  }
0x3c: {  	[sflag:s15] =	ssyncset.done $0x0  }
0x3d: {  	s20 =	sadd.s32 $0x18A000, s20;
	[sflag:s15] =	ssyncadd.s32 $0xFFFFF800  }
0x3e: {  	[tilespmem:s12], [sflag:$0x3] =	stream.strided.gather [hbm4b:s20+s10], $0x800, s11, s10, $0x38;
	[tilespmem:$0x11800] =	vst v63  }
0x3f: {  	_ =	swait.ge [sflag:s13], $0x800  }
0x40: {  	s19 =	simm.s32 @!p0 $0x400;
	[sflag:s13] =	ssyncset.done $0x0  }
0x41: {  	s20 =	simm.s32 @!p0 $0x800;
	s21 =	simm.s32 @!p0 $0x0;
	[sflag:s13] =	ssyncadd.s32 $0xFFFFF800  }
0x42: {  	[tilespmem:s21], [sflag:$0x1] =	stream.strided.gather @!p0 [hbm4b:s8+s19], $0x800, s20, s19, $0x38;
	[tilespmem:$0x11800] =	vst v63  }
0x43: {  	_ =	swait.ge [sflag:s14], $0x800  }
0x44: {  	[sflag:s14] =	ssyncset.done $0x0  }
0x45: {  	[sflag:s14] =	ssyncadd.s32 $0xFFFFF800  }
0x46: {  	_ =	swait.ge [sflag:s15], $0x800  }
0x47: {  	[sflag:s15] =	ssyncset.done $0x0  }
0x48: {  	s19 =	simm.s32 @!p1 $0x1;
	[sflag:s15] =	ssyncadd.s32 $0xFFFFF800  }
0x49: {  	_ =	swait.ge @!p1 [sflag:s19], $0x800  }
0x4a: {  	[sflag:s19] =	ssyncset.done @!p1 $0x0  }
0x4b: {  	[sflag:s19] =	ssyncadd.s32 @!p1 $0xFFFFF800  }
0x4c: {  	[tilespmem:v1+s16+$0x0] =	vst.idx.add.f32.msk vm0, v0  }
0x4d: {  	[tilespmem:v2+s16+$0x0] =	vst.idx.add.f32.msk vm0, v0  }
0x4e: {  	[tilespmem:v3+s16+$0x0] =	vst.idx.add.f32.msk vm0, v0  }
0x4f: {  	[tilespmem:v4+s16+$0x0] =	vst.idx.add.f32.msk vm0, v0  }
0x50: {  	[tilespmem:v5+s16+$0x0] =	vst.idx.add.f32.msk vm0, v0  }
0x51: {  	s18 =	sadd.s32 $0x1, s18;
	[tilespmem:v6+s16+$0x0] =	vst.idx.add.f32.msk vm0, v0  }
0x52: {  	p2 =	sne.s32 s18, s7;
	[tilespmem:v7+s16+$0x0] =	vst.idx.add.f32.msk vm0, v0  }
.Ltmp2:
0x53: {  	[tilespmem:v8+s16+$0x0] =	vst.idx.add.f32.msk vm0, v0;
	(pc) =	sbr.rel @p2 .LBB2_1-.Ltmp2, $4  }
0x54: {  	[hbm4b:s6+s2] =	stream.linear.scatter [tilespmem:s16], [sflag:$0x4], $0x10000, $0x38;
	[tilespmem:$0x11800] =	vst v63  }
0x55: {  	_ =	swait.ge [sflag:s17], $0x10000  }
0x56: {  	[sflag:s17] =	ssyncset.done $0x0  }
0x57: {  	[sflag:s17] =	ssyncadd.s32 $0xFFFF0000  }
0x58: {  	_ =	sfence.sel $0x180000  }
0x59: {  	[bflag:$0x0] =	sbarrier.arrive $0xFFFF  }
0x5a: {  	p0 =	sne.s32 s1, $0x0;
	_ =	strace $0x90000047  }
0x5b: {  	s0 =	sadd.s32 @!p0 $0x100000, s0;
	[bflag:$0x2] =	sbarrier.arrive $0xFFFF  }
0x5c: {  	[sflag:s0] =	ssyncadd.tile.s32 @!p0 $0x1;
	_ =	shalt  }
.Lfunc_end2:
_tile_overlayer_lowered:
.L_overlay_start_2:
0x5d: {  	(tag) =	ssettag $0x2  }
0x5e: {  	s0 =	rddreg [dreg:$0x0];
	s2 =	stileid.u32  }
0x5f: {  	s1 =	rddreg [dreg:$0x1];
	p0 =	sne.s32 s2, $0x0  }
0x60: {  	s3 =	rddreg [dreg:$0x2];
	[bflag:$0x3] =	sbarrier.arrive $0xFFFF;
	s2 =	simm.s32 @!p0 $0x1C04  }
0x61: {  	[timem:s3], [sflag:s2] =	dma.local @!p0 [hbm:s0], s1  }
0x62: {  	s0 =	simm.s32 @!p0 $0x4  }
0x63: {  	_ =	swait.ge @!p0 [sflag:s0], s1  }
0x64: {  	s1 =	ssub.s32 @!p0 $0x0, s1;
	[sflag:s0] =	ssyncset.done @!p0 $0x0  }
0x65: {  	[sflag:s0] =	ssyncadd.s32 @!p0 s1  }
0x66: {  	[bflag:$0x3] =	sbarrier.arrive $0xFFFF  }
0x67: {  	_ =	shalt  }

</sc_bundles>
